<compile_context>
chip_gen: v7x
topology: tpu7x:2x2x1
jax: 0.10.2.dev20260603
libtpu: 0.0.44.dev20260713+nightly
codegen_flags: <defaults>
</compile_context>

<pallas_src>
import functools

import jax
import jax.numpy as jnp
from jax import lax
from jax.experimental import pallas as pl
from jax.experimental.pallas import tpu as pltpu
from jax.experimental.pallas import tpu_sc as plsc

N = 10000
E = 320000
D_IN = 128
HID = 64

NC = 2
NS = 16
NW = NC * NS

NPAD = 10240
ROWS_PER_TILE = NPAD // NS
CH = 80
EW = E // NW
NCHUNK = EW // CH
DEGW = 16

_mesh = plsc.VectorSubcoreMesh(core_axis_name="c", subcore_axis_name="s")
_sc_params = pltpu.CompilerParams(use_tc_tiling_on_sc=False)



def _load_dst_rows(ei_hbm, dst_v, base, sem):
    def fire(j, carry):
        pltpu.async_copy(ei_hbm.at[1, pl.ds(base + j * CH, CH)],
                         dst_v.at[j], sem)
        return carry

    lax.fori_loop(0, NCHUNK, fire, 0)

    def drain(j, carry):
        pltpu.make_async_copy(ei_hbm.at[1, pl.ds(base + j * CH, CH)],
                              dst_v.at[j], sem).wait()
        return carry

    lax.fori_loop(0, NCHUNK, drain, 0)


@functools.partial(
    pl.kernel,
    out_type=jax.ShapeDtypeStruct((NC, NPAD, DEGW), jnp.float32),
    mesh=_mesh,
    scratch_types=[
        pltpu.VMEM((NCHUNK, CH), jnp.int32),
        pltpu.VMEM((CH, DEGW), jnp.float32),
        pltpu.VMEM_SHARED((NPAD, DEGW), jnp.float32),
        pltpu.SemaphoreType.DMA,
        pltpu.SemaphoreType.DMA,
    ],
    compiler_params=_sc_params,
)
def _sc_degree(ei_hbm, ones_hbm, zz_hbm, out_hbm, dst_v, ones_v, acc,
               isem, ssem):
    c = lax.axis_index("c")
    s = lax.axis_index("s")
    wid = s * NC + c
    d2 = pltpu.async_copy(ones_hbm, ones_v, isem)
    pltpu.sync_copy(zz_hbm, acc.at[pl.ds(s * ROWS_PER_TILE, ROWS_PER_TILE)])
    _load_dst_rows(ei_hbm, dst_v, wid * EW, ssem)
    d2.wait()
    plsc.subcore_barrier()

    def fire(j, carry):
        pltpu.async_copy(ones_v, acc.at[dst_v.at[j]], ssem, add=True)
        return carry

    lax.fori_loop(0, NCHUNK, fire, 0)

    def drain(j, carry):
        pltpu.make_async_copy(ones_v, acc.at[dst_v.at[j]], ssem).wait()
        return carry

    lax.fori_loop(0, NCHUNK, drain, 0)
    plsc.subcore_barrier()
    sl = pl.ds(s * ROWS_PER_TILE, ROWS_PER_TILE)
    pltpu.sync_copy(acc.at[sl], out_hbm.at[c, sl])


@functools.partial(
    pl.kernel,
    out_type=jax.ShapeDtypeStruct((NC, NPAD, HID), jnp.float32),
    mesh=_mesh,
    scratch_types=[
        pltpu.VMEM((EW,), jnp.int32),
        pltpu.VMEM((NCHUNK, CH), jnp.int32),
        pltpu.VMEM((CH, HID), jnp.float32),
        pltpu.VMEM((CH, HID), jnp.float32),
        pltpu.VMEM_SHARED((NPAD, HID), jnp.float32),
        pltpu.VMEM_SHARED((NPAD, HID), jnp.float32),
        pltpu.SemaphoreType.DMA,
        pltpu.SemaphoreType.DMA,
        pltpu.SemaphoreType.DMA,
        pltpu.SemaphoreType.DMA,
    ],
    compiler_params=_sc_params,
)
def _sc_edge_scatter(g_hbm, ei_hbm, zf_hbm, out_hbm,
                     src_v, dst_v, rows0, rows1, acc, g_spm,
                     gsem0, gsem1, ssem0, ssem1):
    c = lax.axis_index("c")
    s = lax.axis_index("s")
    wid = s * NC + c
    base = wid * EW
    stage = pl.ds(s * ROWS_PER_TILE, ROWS_PER_TILE)
    d1 = pltpu.async_copy(ei_hbm.at[0, pl.ds(base, EW)], src_v, gsem0)
    d3 = pltpu.async_copy(zf_hbm, acc.at[stage], ssem0)
    d4 = pltpu.async_copy(g_hbm.at[stage], g_spm.at[stage], ssem1)
    _load_dst_rows(ei_hbm, dst_v, base, gsem1)
    d1.wait()
    d3.wait()
    d4.wait()
    plsc.subcore_barrier()

    def sidx(j):
        return src_v.at[pl.ds(j * CH, CH)]

    def gather(j, buf, sem):
        return pltpu.async_copy(g_spm.at[sidx(j)], buf, sem)

    def scatter(j, buf, sem):
        return pltpu.async_copy(buf, acc.at[dst_v.at[j]], sem, add=True)

    gather(0, rows0, gsem0)

    def body(jj, carry):
        k0 = 2 * jj
        pltpu.make_async_copy(g_spm.at[sidx(k0)], rows0, gsem0).wait()
        g1 = gather(k0 + 1, rows1, gsem1)
        sc0 = scatter(k0, rows0, ssem0)
        g1.wait()
        sc1 = scatter(k0 + 1, rows1, ssem1)
        sc0.wait()
        gather(k0 + 2, rows0, gsem0)
        sc1.wait()
        return carry

    lax.fori_loop(0, (NCHUNK - 1) // 2, body, 0)
    kl = NCHUNK - 1
    pltpu.make_async_copy(g_spm.at[sidx(kl)], rows0, gsem0).wait()
    scatter(kl, rows0, ssem0).wait()

    plsc.subcore_barrier()
    sl = pl.ds(s * ROWS_PER_TILE, ROWS_PER_TILE)
    pltpu.sync_copy(acc.at[sl], out_hbm.at[c, sl])



def _dinv_of(deg_ref):
    deg = deg_ref[0, :, 0] + deg_ref[1, :, 0] + 1.0
    return lax.rsqrt(deg)


def _tc0_body(x_ref, w1_ref, hw_ref):
    hw_ref[0:N, :] = jnp.dot(x_ref[...], w1_ref[...],
                             preferred_element_type=jnp.float32)
    hw_ref[N:NPAD, :] = jnp.zeros((NPAD - N, HID), jnp.float32)


def _tc1_body(deg_ref, hw_ref, g1_ref):
    dinv = _dinv_of(deg_ref)
    g1_ref[...] = hw_ref[...] * dinv[:, None]


def _tc2_body(deg_ref, p_ref, g1_ref, w2_ref, b1_ref, g2_ref):
    dinv = _dinv_of(deg_ref)
    agg = p_ref[0] + p_ref[1] + g1_ref[...]
    h1 = jnp.maximum(agg * dinv[:, None] + b1_ref[...], 0.0)
    g2_ref[...] = jnp.dot(h1, w2_ref[...],
                          preferred_element_type=jnp.float32) * dinv[:, None]


def _tc3_body(deg_ref, p_ref, g2_ref, b2_ref, out_ref):
    dinv = _dinv_of(deg_ref)
    agg = p_ref[0] + p_ref[1] + g2_ref[...]
    h2 = jnp.maximum(agg * dinv[:, None] + b2_ref[...], 0.0)
    out_ref[...] = jnp.mean(h2, axis=1, keepdims=True)


_tc0 = pl.pallas_call(
    _tc0_body, out_shape=jax.ShapeDtypeStruct((NPAD, HID), jnp.float32))

_B1 = NPAD // 8
_B3 = N // 5


def _deg_spec(nb):
    return pl.BlockSpec((2, nb, DEGW), lambda i: (0, i, 0))


def _p_spec(nb):
    return pl.BlockSpec((2, nb, HID), lambda i: (0, i, 0))


def _row_spec(nb, w=HID):
    return pl.BlockSpec((nb, w), lambda i: (i, 0))


_tc1 = pl.pallas_call(
    _tc1_body,
    grid=(8,),
    in_specs=[_deg_spec(_B1), _row_spec(_B1)],
    out_specs=_row_spec(_B1),
    out_shape=jax.ShapeDtypeStruct((NPAD, HID), jnp.float32))
_tc2 = pl.pallas_call(
    _tc2_body,
    grid=(8,),
    in_specs=[_deg_spec(_B1), _p_spec(_B1), _row_spec(_B1),
              pl.BlockSpec((HID, HID), lambda i: (0, 0)),
              pl.BlockSpec((1, HID), lambda i: (0, 0))],
    out_specs=_row_spec(_B1),
    out_shape=jax.ShapeDtypeStruct((NPAD, HID), jnp.float32))
_tc3 = pl.pallas_call(
    _tc3_body,
    grid=(5,),
    in_specs=[_deg_spec(_B3), _p_spec(_B3), _row_spec(_B3),
              pl.BlockSpec((1, HID), lambda i: (0, 0))],
    out_specs=_row_spec(_B3, 1),
    out_shape=jax.ShapeDtypeStruct((N, 1), jnp.float32))


def kernel(x, edge_index, W1, b1, W2, b2):
    ones_src = jnp.ones((CH, DEGW), jnp.float32)
    zz = jnp.zeros((ROWS_PER_TILE, DEGW), jnp.float32)
    zf = jnp.zeros((ROWS_PER_TILE, HID), jnp.float32)

    hw1 = _tc0(x, W1)
    deg_parts = _sc_degree(edge_index, ones_src, zz)
    g1 = _tc1(deg_parts, hw1)
    p1 = _sc_edge_scatter(g1, edge_index, zf)
    g2 = _tc2(deg_parts, p1, g1, W2, b1.reshape(1, HID))
    p2 = _sc_edge_scatter(g2, edge_index, zf)
    out = _tc3(deg_parts, p2, g2, b2.reshape(1, HID))
    return out.reshape(N)

# --- scband reference (transcript-rebuilt; emitter-appended) ---
"""Pipeline reference for scband-gnnpolicy-extractor-65197603553736 (READ-ONLY COPY).

The authoritative reference and input builder live on the scoring server;
editing this copy changes nothing except your own understanding.
"""

import jax, jax.numpy as jnp
import numpy as np

N = 10000
E = 320000
D_IN = 128
H = 64


def setup_inputs(seed: int = 0):
    key = jax.random.key(seed)
    ks = jax.random.split(key, 6)
    x = jax.random.normal(ks[0], (N, D_IN), dtype=jnp.float32)
    edge_index = jax.random.randint(ks[1], (2, E), 0, N, dtype=jnp.int32)
    W1 = jax.random.normal(ks[2], (D_IN, H), dtype=jnp.float32) * (1.0 / np.sqrt(D_IN))
    b1 = jnp.zeros((H,), dtype=jnp.float32)
    W2 = jax.random.normal(ks[3], (H, H), dtype=jnp.float32) * (1.0 / np.sqrt(H))
    b2 = jnp.zeros((H,), dtype=jnp.float32)
    return {"x": x, "edge_index": edge_index, "W1": W1, "b1": b1, "W2": W2, "b2": b2}


def _gcn_norm(edge_index, n):
    # GCNConv default: add self-loops, symmetric normalization D^-1/2 (A+I) D^-1/2
    loop = jnp.arange(n, dtype=edge_index.dtype)
    src = jnp.concatenate([edge_index[0], loop])
    dst = jnp.concatenate([edge_index[1], loop])
    deg = jax.ops.segment_sum(jnp.ones(src.shape[0], jnp.float32), dst, num_segments=n)
    dinv = jnp.where(deg > 0, jax.lax.rsqrt(jnp.maximum(deg, 1e-12)), 0.0)
    norm = dinv[src] * dinv[dst]
    return src, dst, norm


def _gcn_conv(h, src, dst, norm, W, b, n):
    h = h @ W
    msg = jnp.take(h, src, axis=0) * norm[:, None]
    agg = jax.ops.segment_sum(msg, dst, num_segments=n)
    return agg + b


def reference(x, edge_index, W1, b1, W2, b2):
    # x = x.unsqueeze(0) if 2D -> [1, N, F]
    xb = x[None] if x.ndim == 2 else x
    n = xb.shape[1]
    src, dst, norm = _gcn_norm(edge_index, n)
    h = xb[0]  # batch dim is 1; node_dim=-2 aggregation
    h = jax.nn.relu(_gcn_conv(h, src, dst, norm, W1, b1, n))
    h = jax.nn.relu(_gcn_conv(h, src, dst, norm, W2, b2, n))
    # x.unsqueeze(0).transpose(1, 2): [1, N, H] -> [1, 1, N, H] -> [1, N, 1, H]
    h4 = jnp.swapaxes(h[None, None], 1, 2)
    # AdaptiveAvgPool1d(1): mean over last dim -> [1, N, 1, 1]; then squeeze -> [N]
    pooled = jnp.mean(h4, axis=-1, keepdims=True)
    return jnp.squeeze(pooled)

if __name__ == "__main__":
    import jax
    _d = setup_inputs()
    print(jax.jit(kernel)(*tuple(_d.values())))

</pallas_src>

<mosaic_0001>
#map = affine_map<(d0, d1) -> (0, 0)>
#map1 = affine_map<(d0, d1) -> (0, 0, 0)>
module attributes {stable_mosaic.version = 14 : i64} {
  func.func @_sc_edge_scatter(%arg0: i32, %arg1: i32, %arg2: memref<10240x64xf32, #tpu.memory_space<hbm>>, %arg3: memref<2x320000xi32, #tpu.memory_space<hbm>>, %arg4: memref<640x64xf32, #tpu.memory_space<hbm>>, %arg5: memref<2x10240x64xf32, #tpu.memory_space<hbm>>, %arg6: memref<10000xi32, #tpu.memory_space<vmem>>, %arg7: memref<125x80xi32, #tpu.memory_space<vmem>>, %arg8: memref<80x64xf32, #tpu.memory_space<vmem>>, %arg9: memref<80x64xf32, #tpu.memory_space<vmem>>, %arg10: memref<10240x64xf32, #tpu.memory_space<vmem_shared>>, %arg11: memref<10240x64xf32, #tpu.memory_space<vmem_shared>>, %arg12: memref<!tpu.dma_semaphore, #tpu.memory_space<semaphore_mem>>, %arg13: memref<!tpu.dma_semaphore, #tpu.memory_space<semaphore_mem>>, %arg14: memref<!tpu.dma_semaphore, #tpu.memory_space<semaphore_mem>>, %arg15: memref<!tpu.dma_semaphore, #tpu.memory_space<semaphore_mem>>) attributes {dimension_semantics = [#tpu.dimension_semantics<core_parallel>, #tpu.dimension_semantics<subcore_parallel>], iteration_bounds = array<i64: 2, 16>, scalar_prefetch = 0 : i64, scratch_operands = 10 : i64, tpu.core_type = #tpu.core_type<sc_vector_subcore>, window_params = [{transform_indices = #map}, {transform_indices = #map}, {transform_indices = #map}, {transform_indices = #map1}]} {
    %mul3A = arith.constant 2 : i32
    %mul3A_0 = arith.muli %arg1, %mul3A : i32
    %add3A = arith.addi %mul3A_0, %arg0 : i32
    %mul3A_1 = arith.constant 10000 : i32
    %mul3A_2 = arith.muli %add3A, %mul3A_1 : i32
    %mul3A_3 = arith.constant 640 : i32
    %mul3A_4 = arith.muli %arg1, %mul3A_3 : i32
    %dma_start3A = arith.constant 0 : i32
    %dma_start3A_5 = tpu.memref_slice %arg3[%dma_start3A, %mul3A_2] : memref<2x320000xi32, #tpu.memory_space<hbm>> -> memref<1x10000xi32, #tpu.memory_space<hbm>>
    %dma_start3A_6 = tpu.memref_squeeze %dma_start3A_5 : memref<1x10000xi32, #tpu.memory_space<hbm>> -> memref<10000xi32, #tpu.memory_space<hbm>>
    %dma_start3A_7 = tpu.memref_slice %arg3[%dma_start3A, %mul3A_2] : memref<2x320000xi32, #tpu.memory_space<hbm>> -> memref<1x10000xi32, #tpu.memory_space<hbm>>
    %dma_start3A_8 = tpu.memref_squeeze %dma_start3A_7 : memref<1x10000xi32, #tpu.memory_space<hbm>> -> memref<10000xi32, #tpu.memory_space<hbm>>
    tpu.enqueue_dma source(%dma_start3A_8 : memref<10000xi32, #tpu.memory_space<hbm>>) target(%arg6 : memref<10000xi32, #tpu.memory_space<vmem>>) target_semaphore(%arg12 : memref<!tpu.dma_semaphore, #tpu.memory_space<semaphore_mem>>)
    %dma_start3A_9 = arith.constant 0 : i32
    %dma_start3A_10 = tpu.memref_slice %arg10[%mul3A_4, %dma_start3A_9] : memref<10240x64xf32, #tpu.memory_space<vmem_shared>> -> memref<640x64xf32, #tpu.memory_space<vmem_shared>>
    tpu.enqueue_dma source(%arg4 : memref<640x64xf32, #tpu.memory_space<hbm>>) target(%dma_start3A_10 : memref<640x64xf32, #tpu.memory_space<vmem_shared>>) target_semaphore(%arg14 : memref<!tpu.dma_semaphore, #tpu.memory_space<semaphore_mem>>)
    %dma_start3A_11 = arith.constant 0 : i32
    %dma_start3A_12 = tpu.memref_slice %arg11[%mul3A_4, %dma_start3A_11] : memref<10240x64xf32, #tpu.memory_space<vmem_shared>> -> memref<640x64xf32, #tpu.memory_space<vmem_shared>>
    %dma_start3A_13 = arith.constant 0 : i32
    %dma_start3A_14 = tpu.memref_slice %arg2[%mul3A_4, %dma_start3A_13] : memref<10240x64xf32, #tpu.memory_space<hbm>> -> memref<640x64xf32, #tpu.memory_space<hbm>>
    tpu.enqueue_dma source(%dma_start3A_14 : memref<640x64xf32, #tpu.memory_space<hbm>>) target(%dma_start3A_12 : memref<640x64xf32, #tpu.memory_space<vmem_shared>>) target_semaphore(%arg15 : memref<!tpu.dma_semaphore, #tpu.memory_space<semaphore_mem>>)
    %scan3A = arith.constant 0 : i32
    %scan3A_15 = arith.constant 0 : i32
    %scan3A_16 = arith.constant 125 : i32
    %scan3A_17 = arith.addi %scan3A_15, %scan3A_16 : i32
    %scan3A_18 = arith.constant 1 : i32
    scf.for %scan3A_69 = %scan3A_15 to %scan3A_17 step %scan3A_18  : i32 {
      %mul3A_70 = arith.constant 80 : i32
      %mul3A_71 = arith.muli %scan3A_69, %mul3A_70 : i32
      %add3A_72 = arith.addi %mul3A_2, %mul3A_71 : i32
      %dma_start3A_73 = arith.constant 1 : i32
      %dma_start3A_74 = arith.constant 0 : i32
      %dma_start3A_75 = tpu.memref_slice %arg7[%scan3A_69, %dma_start3A_74] : memref<125x80xi32, #tpu.memory_space<vmem>> -> memref<1x80xi32, #tpu.memory_space<vmem>>
      %dma_start3A_76 = tpu.memref_squeeze %dma_start3A_75 : memref<1x80xi32, #tpu.memory_space<vmem>> -> memref<80xi32, #tpu.memory_space<vmem>>
      %dma_start3A_77 = tpu.memref_slice %arg3[%dma_start3A_73, %add3A_72] : memref<2x320000xi32, #tpu.memory_space<hbm>> -> memref<1x80xi32, #tpu.memory_space<hbm>>
      %dma_start3A_78 = tpu.memref_squeeze %dma_start3A_77 : memref<1x80xi32, #tpu.memory_space<hbm>> -> memref<80xi32, #tpu.memory_space<hbm>>
      %dma_start3A_79 = arith.constant 0 : i32
      %dma_start3A_80 = tpu.memref_slice %arg7[%scan3A_69, %dma_start3A_79] : memref<125x80xi32, #tpu.memory_space<vmem>> -> memref<1x80xi32, #tpu.memory_space<vmem>>
      %dma_start3A_81 = tpu.memref_squeeze %dma_start3A_80 : memref<1x80xi32, #tpu.memory_space<vmem>> -> memref<80xi32, #tpu.memory_space<vmem>>
      %dma_start3A_82 = tpu.memref_slice %arg3[%dma_start3A_73, %add3A_72] : memref<2x320000xi32, #tpu.memory_space<hbm>> -> memref<1x80xi32, #tpu.memory_space<hbm>>
      %dma_start3A_83 = tpu.memref_squeeze %dma_start3A_82 : memref<1x80xi32, #tpu.memory_space<hbm>> -> memref<80xi32, #tpu.memory_space<hbm>>
      tpu.enqueue_dma source(%dma_start3A_83 : memref<80xi32, #tpu.memory_space<hbm>>) target(%dma_start3A_81 : memref<80xi32, #tpu.memory_space<vmem>>) target_semaphore(%arg13 : memref<!tpu.dma_semaphore, #tpu.memory_space<semaphore_mem>>)
    }
    %scan3A_19 = arith.constant 125 : i32
    %scan3A_20 = arith.constant 0 : i32
    %scan3A_21 = arith.constant 0 : i32
    %scan3A_22 = arith.constant 125 : i32
    %scan3A_23 = arith.addi %scan3A_21, %scan3A_22 : i32
    %scan3A_24 = arith.constant 1 : i32
    scf.for %scan3A_69 = %scan3A_21 to %scan3A_23 step %scan3A_24  : i32 {
      %mul3A_70 = arith.constant 80 : i32
      %mul3A_71 = arith.muli %scan3A_69, %mul3A_70 : i32
      %add3A_72 = arith.addi %mul3A_2, %mul3A_71 : i32
      %dma_wait3A_73 = arith.constant 1 : i32
      %dma_wait3A_74 = arith.constant 0 : i32
      %dma_wait3A_75 = tpu.memref_slice %arg7[%scan3A_69, %dma_wait3A_74] : memref<125x80xi32, #tpu.memory_space<vmem>> -> memref<1x80xi32, #tpu.memory_space<vmem>>
      %dma_wait3A_76 = tpu.memref_squeeze %dma_wait3A_75 : memref<1x80xi32, #tpu.memory_space<vmem>> -> memref<80xi32, #tpu.memory_space<vmem>>
      %dma_wait3A_77 = tpu.memref_slice %arg3[%dma_wait3A_73, %add3A_72] : memref<2x320000xi32, #tpu.memory_space<hbm>> -> memref<1x80xi32, #tpu.memory_space<hbm>>
      %dma_wait3A_78 = tpu.memref_squeeze %dma_wait3A_77 : memref<1x80xi32, #tpu.memory_space<hbm>> -> memref<80xi32, #tpu.memory_space<hbm>>
      %dma_wait3A_79 = arith.constant 0 : i32
      %dma_wait3A_80 = tpu.memref_slice %arg7[%scan3A_69, %dma_wait3A_79] : memref<125x80xi32, #tpu.memory_space<vmem>> -> memref<1x80xi32, #tpu.memory_space<vmem>>
      %dma_wait3A_81 = tpu.memref_squeeze %dma_wait3A_80 : memref<1x80xi32, #tpu.memory_space<vmem>> -> memref<80xi32, #tpu.memory_space<vmem>>
      %dma_wait3A_82 = tpu.memref_slice %arg3[%dma_wait3A_73, %add3A_72] : memref<2x320000xi32, #tpu.memory_space<hbm>> -> memref<1x80xi32, #tpu.memory_space<hbm>>
      %dma_wait3A_83 = tpu.memref_squeeze %dma_wait3A_82 : memref<1x80xi32, #tpu.memory_space<hbm>> -> memref<80xi32, #tpu.memory_space<hbm>>
      tpu.wait_dma2 semaphore(%arg13 : memref<!tpu.dma_semaphore, #tpu.memory_space<semaphore_mem>>) src(%dma_wait3A_83 : memref<80xi32, #tpu.memory_space<hbm>>) dst(%dma_wait3A_81 : memref<80xi32, #tpu.memory_space<vmem>>)
    }
    %scan3A_25 = arith.constant 125 : i32
    %dma_wait3A = arith.constant 0 : i32
    %dma_wait3A_26 = tpu.memref_slice %arg3[%dma_wait3A, %mul3A_2] : memref<2x320000xi32, #tpu.memory_space<hbm>> -> memref<1x10000xi32, #tpu.memory_space<hbm>>
    %dma_wait3A_27 = tpu.memref_squeeze %dma_wait3A_26 : memref<1x10000xi32, #tpu.memory_space<hbm>> -> memref<10000xi32, #tpu.memory_space<hbm>>
    %dma_wait3A_28 = tpu.memref_slice %arg3[%dma_wait3A, %mul3A_2] : memref<2x320000xi32, #tpu.memory_space<hbm>> -> memref<1x10000xi32, #tpu.memory_space<hbm>>
    %dma_wait3A_29 = tpu.memref_squeeze %dma_wait3A_28 : memref<1x10000xi32, #tpu.memory_space<hbm>> -> memref<10000xi32, #tpu.memory_space<hbm>>
    tpu.wait_dma2 semaphore(%arg12 : memref<!tpu.dma_semaphore, #tpu.memory_space<semaphore_mem>>) src(%dma_wait3A_29 : memref<10000xi32, #tpu.memory_space<hbm>>) dst(%arg6 : memref<10000xi32, #tpu.memory_space<vmem>>)
    %dma_wait3A_30 = arith.constant 0 : i32
    %dma_wait3A_31 = tpu.memref_slice %arg10[%mul3A_4, %dma_wait3A_30] : memref<10240x64xf32, #tpu.memory_space<vmem_shared>> -> memref<640x64xf32, #tpu.memory_space<vmem_shared>>
    tpu.wait_dma2 semaphore(%arg14 : memref<!tpu.dma_semaphore, #tpu.memory_space<semaphore_mem>>) src(%arg4 : memref<640x64xf32, #tpu.memory_space<hbm>>) dst(%dma_wait3A_31 : memref<640x64xf32, #tpu.memory_space<vmem_shared>>)
    %dma_wait3A_32 = arith.constant 0 : i32
    %dma_wait3A_33 = tpu.memref_slice %arg11[%mul3A_4, %dma_wait3A_32] : memref<10240x64xf32, #tpu.memory_space<vmem_shared>> -> memref<640x64xf32, #tpu.memory_space<vmem_shared>>
    %dma_wait3A_34 = arith.constant 0 : i32
    %dma_wait3A_35 = tpu.memref_slice %arg2[%mul3A_4, %dma_wait3A_34] : memref<10240x64xf32, #tpu.memory_space<hbm>> -> memref<640x64xf32, #tpu.memory_space<hbm>>
    tpu.wait_dma2 semaphore(%arg15 : memref<!tpu.dma_semaphore, #tpu.memory_space<semaphore_mem>>) src(%dma_wait3A_35 : memref<640x64xf32, #tpu.memory_space<hbm>>) dst(%dma_wait3A_33 : memref<640x64xf32, #tpu.memory_space<vmem_shared>>)
    %barrier3A = arith.constant 0 : index
    tpu.barrier barrier_id(%barrier3A)
    %dma_start3A_36 = arith.constant 0 : i32
    %dma_start3A_37 = tpu.memref_slice %arg6[%dma_start3A_36] : memref<10000xi32, #tpu.memory_space<vmem>> -> memref<80xi32, #tpu.memory_space<vmem>>
    %dma_start3A_38 = arith.constant 0 : i32
    %dma_start3A_39 = arith.constant 0 : i32
    %dma_start3A_40 = tpu.memref_slice %arg11[%dma_start3A_38, %dma_start3A_39] : memref<10240x64xf32, #tpu.memory_space<vmem_shared>> -> memref<10240x64xf32, #tpu.memory_space<vmem_shared>>
    tpu.enqueue_indirect_dma source(%dma_start3A_40 : memref<10240x64xf32, #tpu.memory_space<vmem_shared>>) target(%arg8 : memref<80x64xf32, #tpu.memory_space<vmem>>) offsets(%dma_start3A_37 : memref<80xi32, #tpu.memory_space<vmem>>) semaphore(%arg12 : memref<!tpu.dma_semaphore, #tpu.memory_space<semaphore_mem>>)
    %scan3A_41 = arith.constant 0 : i32
    %scan3A_42 = arith.constant 0 : i32
    %scan3A_43 = arith.constant 62 : i32
    %scan3A_44 = arith.addi %scan3A_42, %scan3A_43 : i32
    %scan3A_45 = arith.constant 1 : i32
    scf.for %scan3A_69 = %scan3A_42 to %scan3A_44 step %scan3A_45  : i32 {
      %mul3A_70 = arith.constant 2 : i32
      %mul3A_71 = arith.muli %mul3A_70, %scan3A_69 : i32
      %mul3A_72 = arith.constant 80 : i32
      %mul3A_73 = arith.muli %mul3A_71, %mul3A_72 : i32
      %dma_wait3A_74 = tpu.memref_slice %arg6[%mul3A_73] : memref<10000xi32, #tpu.memory_space<vmem>> -> memref<80xi32, #tpu.memory_space<vmem>>
      %dma_wait3A_75 = arith.constant 0 : i32
      %dma_wait3A_76 = arith.constant 0 : i32
      %dma_wait3A_77 = tpu.memref_slice %arg11[%dma_wait3A_75, %dma_wait3A_76] : memref<10240x64xf32, #tpu.memory_space<vmem_shared>> -> memref<10240x64xf32, #tpu.memory_space<vmem_shared>>
      tpu.wait_indirect_dma semaphore(%arg12 : memref<!tpu.dma_semaphore, #tpu.memory_space<semaphore_mem>>) src(%dma_wait3A_77 : memref<10240x64xf32, #tpu.memory_space<vmem_shared>>) dst(%arg8 : memref<80x64xf32, #tpu.memory_space<vmem>>)
      %add3A_78 = arith.constant 1 : i32
      %add3A_79 = arith.addi %mul3A_71, %add3A_78 : i32
      %mul3A_80 = arith.constant 80 : i32
      %mul3A_81 = arith.muli %add3A_79, %mul3A_80 : i32
      %dma_start3A_82 = tpu.memref_slice %arg6[%mul3A_81] : memref<10000xi32, #tpu.memory_space<vmem>> -> memref<80xi32, #tpu.memory_space<vmem>>
      %dma_start3A_83 = arith.constant 0 : i32
      %dma_start3A_84 = arith.constant 0 : i32
      %dma_start3A_85 = tpu.memref_slice %arg11[%dma_start3A_83, %dma_start3A_84] : memref<10240x64xf32, #tpu.memory_space<vmem_shared>> -> memref<10240x64xf32, #tpu.memory_space<vmem_shared>>
      tpu.enqueue_indirect_dma source(%dma_start3A_85 : memref<10240x64xf32, #tpu.memory_space<vmem_shared>>) target(%arg9 : memref<80x64xf32, #tpu.memory_space<vmem>>) offsets(%dma_start3A_82 : memref<80xi32, #tpu.memory_space<vmem>>) semaphore(%arg13 : memref<!tpu.dma_semaphore, #tpu.memory_space<semaphore_mem>>)
      %dma_start3A_86 = arith.constant 0 : i32
      %dma_start3A_87 = tpu.memref_slice %arg7[%mul3A_71, %dma_start3A_86] : memref<125x80xi32, #tpu.memory_space<vmem>> -> memref<1x80xi32, #tpu.memory_space<vmem>>
      %dma_start3A_88 = tpu.memref_squeeze %dma_start3A_87 : memref<1x80xi32, #tpu.memory_space<vmem>> -> memref<80xi32, #tpu.memory_space<vmem>>
      %dma_start3A_89 = arith.constant 0 : i32
      %dma_start3A_90 = arith.constant 0 : i32
      %dma_start3A_91 = tpu.memref_slice %arg10[%dma_start3A_89, %dma_start3A_90] : memref<10240x64xf32, #tpu.memory_space<vmem_shared>> -> memref<10240x64xf32, #tpu.memory_space<vmem_shared>>
      tpu.enqueue_indirect_dma source(%arg8 : memref<80x64xf32, #tpu.memory_space<vmem>>) target(%dma_start3A_91 : memref<10240x64xf32, #tpu.memory_space<vmem_shared>>) offsets(%dma_start3A_88 : memref<80xi32, #tpu.memory_space<vmem>>) semaphore(%arg14 : memref<!tpu.dma_semaphore, #tpu.memory_space<semaphore_mem>>) {add = true}
      %dma_wait3A_92 = tpu.memref_slice %arg6[%mul3A_81] : memref<10000xi32, #tpu.memory_space<vmem>> -> memref<80xi32, #tpu.memory_space<vmem>>
      %dma_wait3A_93 = arith.constant 0 : i32
      %dma_wait3A_94 = arith.constant 0 : i32
      %dma_wait3A_95 = tpu.memref_slice %arg11[%dma_wait3A_93, %dma_wait3A_94] : memref<10240x64xf32, #tpu.memory_space<vmem_shared>> -> memref<10240x64xf32, #tpu.memory_space<vmem_shared>>
      tpu.wait_indirect_dma semaphore(%arg13 : memref<!tpu.dma_semaphore, #tpu.memory_space<semaphore_mem>>) src(%dma_wait3A_95 : memref<10240x64xf32, #tpu.memory_space<vmem_shared>>) dst(%arg9 : memref<80x64xf32, #tpu.memory_space<vmem>>)
      %add3A_96 = arith.constant 1 : i32
      %add3A_97 = arith.addi %mul3A_71, %add3A_96 : i32
      %dma_start3A_98 = arith.constant 0 : i32
      %dma_start3A_99 = tpu.memref_slice %arg7[%add3A_97, %dma_start3A_98] : memref<125x80xi32, #tpu.memory_space<vmem>> -> memref<1x80xi32, #tpu.memory_space<vmem>>
      %dma_start3A_100 = tpu.memref_squeeze %dma_start3A_99 : memref<1x80xi32, #tpu.memory_space<vmem>> -> memref<80xi32, #tpu.memory_space<vmem>>
      %dma_start3A_101 = arith.constant 0 : i32
      %dma_start3A_102 = arith.constant 0 : i32
      %dma_start3A_103 = tpu.memref_slice %arg10[%dma_start3A_101, %dma_start3A_102] : memref<10240x64xf32, #tpu.memory_space<vmem_shared>> -> memref<10240x64xf32, #tpu.memory_space<vmem_shared>>
      tpu.enqueue_indirect_dma source(%arg9 : memref<80x64xf32, #tpu.memory_space<vmem>>) target(%dma_start3A_103 : memref<10240x64xf32, #tpu.memory_space<vmem_shared>>) offsets(%dma_start3A_100 : memref<80xi32, #tpu.memory_space<vmem>>) semaphore(%arg15 : memref<!tpu.dma_semaphore, #tpu.memory_space<semaphore_mem>>) {add = true}
      %dma_wait3A_104 = arith.constant 0 : i32
      %dma_wait3A_105 = tpu.memref_slice %arg7[%mul3A_71, %dma_wait3A_104] : memref<125x80xi32, #tpu.memory_space<vmem>> -> memref<1x80xi32, #tpu.memory_space<vmem>>
      %dma_wait3A_106 = tpu.memref_squeeze %dma_wait3A_105 : memref<1x80xi32, #tpu.memory_space<vmem>> -> memref<80xi32, #tpu.memory_space<vmem>>
      %dma_wait3A_107 = arith.constant 0 : i32
      %dma_wait3A_108 = arith.constant 0 : i32
      %dma_wait3A_109 = tpu.memref_slice %arg10[%dma_wait3A_107, %dma_wait3A_108] : memref<10240x64xf32, #tpu.memory_space<vmem_shared>> -> memref<10240x64xf32, #tpu.memory_space<vmem_shared>>
      tpu.wait_indirect_dma semaphore(%arg14 : memref<!tpu.dma_semaphore, #tpu.memory_space<semaphore_mem>>) src(%arg8 : memref<80x64xf32, #tpu.memory_space<vmem>>) dst(%dma_wait3A_109 : memref<10240x64xf32, #tpu.memory_space<vmem_shared>>)
      %add3A_110 = arith.constant 2 : i32
      %add3A_111 = arith.addi %mul3A_71, %add3A_110 : i32
      %mul3A_112 = arith.constant 80 : i32
      %mul3A_113 = arith.muli %add3A_111, %mul3A_112 : i32
      %dma_start3A_114 = tpu.memref_slice %arg6[%mul3A_113] : memref<10000xi32, #tpu.memory_space<vmem>> -> memref<80xi32, #tpu.memory_space<vmem>>
      %dma_start3A_115 = arith.constant 0 : i32
      %dma_start3A_116 = arith.constant 0 : i32
      %dma_start3A_117 = tpu.memref_slice %arg11[%dma_start3A_115, %dma_start3A_116] : memref<10240x64xf32, #tpu.memory_space<vmem_shared>> -> memref<10240x64xf32, #tpu.memory_space<vmem_shared>>
      tpu.enqueue_indirect_dma source(%dma_start3A_117 : memref<10240x64xf32, #tpu.memory_space<vmem_shared>>) target(%arg8 : memref<80x64xf32, #tpu.memory_space<vmem>>) offsets(%dma_start3A_114 : memref<80xi32, #tpu.memory_space<vmem>>) semaphore(%arg12 : memref<!tpu.dma_semaphore, #tpu.memory_space<semaphore_mem>>)
      %dma_wait3A_118 = arith.constant 0 : i32
      %dma_wait3A_119 = tpu.memref_slice %arg7[%add3A_97, %dma_wait3A_118] : memref<125x80xi32, #tpu.memory_space<vmem>> -> memref<1x80xi32, #tpu.memory_space<vmem>>
      %dma_wait3A_120 = tpu.memref_squeeze %dma_wait3A_119 : memref<1x80xi32, #tpu.memory_space<vmem>> -> memref<80xi32, #tpu.memory_space<vmem>>
      %dma_wait3A_121 = arith.constant 0 : i32
      %dma_wait3A_122 = arith.constant 0 : i32
      %dma_wait3A_123 = tpu.memref_slice %arg10[%dma_wait3A_121, %dma_wait3A_122] : memref<10240x64xf32, #tpu.memory_space<vmem_shared>> -> memref<10240x64xf32, #tpu.memory_space<vmem_shared>>
      tpu.wait_indirect_dma semaphore(%arg15 : memref<!tpu.dma_semaphore, #tpu.memory_space<semaphore_mem>>) src(%arg9 : memref<80x64xf32, #tpu.memory_space<vmem>>) dst(%dma_wait3A_123 : memref<10240x64xf32, #tpu.memory_space<vmem_shared>>)
    }
    %scan3A_46 = arith.constant 62 : i32
    %dma_wait3A_47 = arith.constant 9920 : i32
    %dma_wait3A_48 = tpu.memref_slice %arg6[%dma_wait3A_47] : memref<10000xi32, #tpu.memory_space<vmem>> -> memref<80xi32, #tpu.memory_space<vmem>>
    %dma_wait3A_49 = arith.constant 0 : i32
    %dma_wait3A_50 = arith.constant 0 : i32
    %dma_wait3A_51 = tpu.memref_slice %arg11[%dma_wait3A_49, %dma_wait3A_50] : memref<10240x64xf32, #tpu.memory_space<vmem_shared>> -> memref<10240x64xf32, #tpu.memory_space<vmem_shared>>
    tpu.wait_indirect_dma semaphore(%arg12 : memref<!tpu.dma_semaphore, #tpu.memory_space<semaphore_mem>>) src(%dma_wait3A_51 : memref<10240x64xf32, #tpu.memory_space<vmem_shared>>) dst(%arg8 : memref<80x64xf32, #tpu.memory_space<vmem>>)
    %dma_start3A_52 = arith.constant 124 : i32
    %dma_start3A_53 = arith.constant 0 : i32
    %dma_start3A_54 = tpu.memref_slice %arg7[%dma_start3A_52, %dma_start3A_53] : memref<125x80xi32, #tpu.memory_space<vmem>> -> memref<1x80xi32, #tpu.memory_space<vmem>>
    %dma_start3A_55 = tpu.memref_squeeze %dma_start3A_54 : memref<1x80xi32, #tpu.memory_space<vmem>> -> memref<80xi32, #tpu.memory_space<vmem>>
    %dma_start3A_56 = arith.constant 0 : i32
    %dma_start3A_57 = arith.constant 0 : i32
    %dma_start3A_58 = tpu.memref_slice %arg10[%dma_start3A_56, %dma_start3A_57] : memref<10240x64xf32, #tpu.memory_space<vmem_shared>> -> memref<10240x64xf32, #tpu.memory_space<vmem_shared>>
    tpu.enqueue_indirect_dma source(%arg8 : memref<80x64xf32, #tpu.memory_space<vmem>>) target(%dma_start3A_58 : memref<10240x64xf32, #tpu.memory_space<vmem_shared>>) offsets(%dma_start3A_55 : memref<80xi32, #tpu.memory_space<vmem>>) semaphore(%arg14 : memref<!tpu.dma_semaphore, #tpu.memory_space<semaphore_mem>>) {add = true}
    %dma_wait3A_59 = arith.constant 124 : i32
    %dma_wait3A_60 = arith.constant 0 : i32
    %dma_wait3A_61 = tpu.memref_slice %arg7[%dma_wait3A_59, %dma_wait3A_60] : memref<125x80xi32, #tpu.memory_space<vmem>> -> memref<1x80xi32, #tpu.memory_space<vmem>>
    %dma_wait3A_62 = tpu.memref_squeeze %dma_wait3A_61 : memref<1x80xi32, #tpu.memory_space<vmem>> -> memref<80xi32, #tpu.memory_space<vmem>>
    %dma_wait3A_63 = arith.constant 0 : i32
    %dma_wait3A_64 = arith.constant 0 : i32
    %dma_wait3A_65 = tpu.memref_slice %arg10[%dma_wait3A_63, %dma_wait3A_64] : memref<10240x64xf32, #tpu.memory_space<vmem_shared>> -> memref<10240x64xf32, #tpu.memory_space<vmem_shared>>
    tpu.wait_indirect_dma semaphore(%arg14 : memref<!tpu.dma_semaphore, #tpu.memory_space<semaphore_mem>>) src(%arg8 : memref<80x64xf32, #tpu.memory_space<vmem>>) dst(%dma_wait3A_65 : memref<10240x64xf32, #tpu.memory_space<vmem_shared>>)
    %barrier3A_66 = arith.constant 0 : index
    tpu.barrier barrier_id(%barrier3A_66)
    %mul3A_67 = arith.constant 640 : i32
    %mul3A_68 = arith.muli %arg1, %mul3A_67 : i32
    "tpu.region"() ({
      %run_scoped3A = tpu.sem_alloc : memref<!tpu.dma_semaphore, #tpu.memory_space<semaphore_mem>>
      %dma_start3A_69 = arith.constant 0 : i32
      %dma_start3A_70 = tpu.memref_slice %arg5[%arg0, %mul3A_68, %dma_start3A_69] : memref<2x10240x64xf32, #tpu.memory_space<hbm>> -> memref<1x640x64xf32, #tpu.memory_space<hbm>>
      %dma_start3A_71 = tpu.memref_squeeze %dma_start3A_70 : memref<1x640x64xf32, #tpu.memory_space<hbm>> -> memref<640x64xf32, #tpu.memory_space<hbm>>
      %dma_start3A_72 = arith.constant 0 : i32
      %dma_start3A_73 = tpu.memref_slice %arg10[%mul3A_68, %dma_start3A_72] : memref<10240x64xf32, #tpu.memory_space<vmem_shared>> -> memref<640x64xf32, #tpu.memory_space<vmem_shared>>
      tpu.enqueue_dma source(%dma_start3A_73 : memref<640x64xf32, #tpu.memory_space<vmem_shared>>) target(%dma_start3A_71 : memref<640x64xf32, #tpu.memory_space<hbm>>) target_semaphore(%run_scoped3A : memref<!tpu.dma_semaphore, #tpu.memory_space<semaphore_mem>>)
      %dma_wait3A_74 = arith.constant 0 : i32
      %dma_wait3A_75 = tpu.memref_slice %arg5[%arg0, %mul3A_68, %dma_wait3A_74] : memref<2x10240x64xf32, #tpu.memory_space<hbm>> -> memref<1x640x64xf32, #tpu.memory_space<hbm>>
      %dma_wait3A_76 = tpu.memref_squeeze %dma_wait3A_75 : memref<1x640x64xf32, #tpu.memory_space<hbm>> -> memref<640x64xf32, #tpu.memory_space<hbm>>
      %dma_wait3A_77 = arith.constant 0 : i32
      %dma_wait3A_78 = tpu.memref_slice %arg10[%mul3A_68, %dma_wait3A_77] : memref<10240x64xf32, #tpu.memory_space<vmem_shared>> -> memref<640x64xf32, #tpu.memory_space<vmem_shared>>
      tpu.wait_dma2 semaphore(%run_scoped3A : memref<!tpu.dma_semaphore, #tpu.memory_space<semaphore_mem>>) src(%dma_wait3A_78 : memref<640x64xf32, #tpu.memory_space<vmem_shared>>) dst(%dma_wait3A_76 : memref<640x64xf32, #tpu.memory_space<hbm>>)
      tpu.yield
    }) : () -> ()
    return
  }
}

#map = affine_map<(d0, d1) -> (0, 0)>
#map1 = affine_map<(d0, d1) -> (0, 0, 0)>
module attributes {stable_mosaic.version = 14 : i64} {
  func.func @_sc_degree(%arg0: i32, %arg1: i32, %arg2: memref<2x320000xi32, #tpu.memory_space<hbm>>, %arg3: memref<80x16xf32, #tpu.memory_space<hbm>>, %arg4: memref<640x16xf32, #tpu.memory_space<hbm>>, %arg5: memref<2x10240x16xf32, #tpu.memory_space<hbm>>, %arg6: memref<125x80xi32, #tpu.memory_space<vmem>>, %arg7: memref<80x16xf32, #tpu.memory_space<vmem>>, %arg8: memref<10240x16xf32, #tpu.memory_space<vmem_shared>>, %arg9: memref<!tpu.dma_semaphore, #tpu.memory_space<semaphore_mem>>, %arg10: memref<!tpu.dma_semaphore, #tpu.memory_space<semaphore_mem>>) attributes {dimension_semantics = [#tpu.dimension_semantics<core_parallel>, #tpu.dimension_semantics<subcore_parallel>], iteration_bounds = array<i64: 2, 16>, scalar_prefetch = 0 : i64, scratch_operands = 5 : i64, tpu.core_type = #tpu.core_type<sc_vector_subcore>, window_params = [{transform_indices = #map}, {transform_indices = #map}, {transform_indices = #map}, {transform_indices = #map1}]} {
    %mul3A = arith.constant 2 : i32
    %mul3A_0 = arith.muli %arg1, %mul3A : i32
    %add3A = arith.addi %mul3A_0, %arg0 : i32
    tpu.enqueue_dma source(%arg3 : memref<80x16xf32, #tpu.memory_space<hbm>>) target(%arg7 : memref<80x16xf32, #tpu.memory_space<vmem>>) target_semaphore(%arg9 : memref<!tpu.dma_semaphore, #tpu.memory_space<semaphore_mem>>)
    %mul3A_1 = arith.constant 640 : i32
    %mul3A_2 = arith.muli %arg1, %mul3A_1 : i32
    "tpu.region"() ({
      %run_scoped3A = tpu.sem_alloc : memref<!tpu.dma_semaphore, #tpu.memory_space<semaphore_mem>>
      %dma_start3A = arith.constant 0 : i32
      %dma_start3A_31 = tpu.memref_slice %arg8[%mul3A_2, %dma_start3A] : memref<10240x16xf32, #tpu.memory_space<vmem_shared>> -> memref<640x16xf32, #tpu.memory_space<vmem_shared>>
      tpu.enqueue_dma source(%arg4 : memref<640x16xf32, #tpu.memory_space<hbm>>) target(%dma_start3A_31 : memref<640x16xf32, #tpu.memory_space<vmem_shared>>) target_semaphore(%run_scoped3A : memref<!tpu.dma_semaphore, #tpu.memory_space<semaphore_mem>>)
      %dma_wait3A = arith.constant 0 : i32
      %dma_wait3A_32 = tpu.memref_slice %arg8[%mul3A_2, %dma_wait3A] : memref<10240x16xf32, #tpu.memory_space<vmem_shared>> -> memref<640x16xf32, #tpu.memory_space<vmem_shared>>
      tpu.wait_dma2 semaphore(%run_scoped3A : memref<!tpu.dma_semaphore, #tpu.memory_space<semaphore_mem>>) src(%arg4 : memref<640x16xf32, #tpu.memory_space<hbm>>) dst(%dma_wait3A_32 : memref<640x16xf32, #tpu.memory_space<vmem_shared>>)
      tpu.yield
    }) : () -> ()
    %mul3A_3 = arith.constant 10000 : i32
    %mul3A_4 = arith.muli %add3A, %mul3A_3 : i32
    %scan3A = arith.constant 0 : i32
    %scan3A_5 = arith.constant 0 : i32
    %scan3A_6 = arith.constant 125 : i32
    %scan3A_7 = arith.addi %scan3A_5, %scan3A_6 : i32
    %scan3A_8 = arith.constant 1 : i32
    scf.for %scan3A_31 = %scan3A_5 to %scan3A_7 step %scan3A_8  : i32 {
      %mul3A_32 = arith.constant 80 : i32
      %mul3A_33 = arith.muli %scan3A_31, %mul3A_32 : i32
      %add3A_34 = arith.addi %mul3A_4, %mul3A_33 : i32
      %dma_start3A = arith.constant 1 : i32
      %dma_start3A_35 = arith.constant 0 : i32
      %dma_start3A_36 = tpu.memref_slice %arg6[%scan3A_31, %dma_start3A_35] : memref<125x80xi32, #tpu.memory_space<vmem>> -> memref<1x80xi32, #tpu.memory_space<vmem>>
      %dma_start3A_37 = tpu.memref_squeeze %dma_start3A_36 : memref<1x80xi32, #tpu.memory_space<vmem>> -> memref<80xi32, #tpu.memory_space<vmem>>
      %dma_start3A_38 = tpu.memref_slice %arg2[%dma_start3A, %add3A_34] : memref<2x320000xi32, #tpu.memory_space<hbm>> -> memref<1x80xi32, #tpu.memory_space<hbm>>
      %dma_start3A_39 = tpu.memref_squeeze %dma_start3A_38 : memref<1x80xi32, #tpu.memory_space<hbm>> -> memref<80xi32, #tpu.memory_space<hbm>>
      %dma_start3A_40 = arith.constant 0 : i32
      %dma_start3A_41 = tpu.memref_slice %arg6[%scan3A_31, %dma_start3A_40] : memref<125x80xi32, #tpu.memory_space<vmem>> -> memref<1x80xi32, #tpu.memory_space<vmem>>
      %dma_start3A_42 = tpu.memref_squeeze %dma_start3A_41 : memref<1x80xi32, #tpu.memory_space<vmem>> -> memref<80xi32, #tpu.memory_space<vmem>>
      %dma_start3A_43 = tpu.memref_slice %arg2[%dma_start3A, %add3A_34] : memref<2x320000xi32, #tpu.memory_space<hbm>> -> memref<1x80xi32, #tpu.memory_space<hbm>>
      %dma_start3A_44 = tpu.memref_squeeze %dma_start3A_43 : memref<1x80xi32, #tpu.memory_space<hbm>> -> memref<80xi32, #tpu.memory_space<hbm>>
      tpu.enqueue_dma source(%dma_start3A_44 : memref<80xi32, #tpu.memory_space<hbm>>) target(%dma_start3A_42 : memref<80xi32, #tpu.memory_space<vmem>>) target_semaphore(%arg10 : memref<!tpu.dma_semaphore, #tpu.memory_space<semaphore_mem>>)
    }
    %scan3A_9 = arith.constant 125 : i32
    %scan3A_10 = arith.constant 0 : i32
    %scan3A_11 = arith.constant 0 : i32
    %scan3A_12 = arith.constant 125 : i32
    %scan3A_13 = arith.addi %scan3A_11, %scan3A_12 : i32
    %scan3A_14 = arith.constant 1 : i32
    scf.for %scan3A_31 = %scan3A_11 to %scan3A_13 step %scan3A_14  : i32 {
      %mul3A_32 = arith.constant 80 : i32
      %mul3A_33 = arith.muli %scan3A_31, %mul3A_32 : i32
      %add3A_34 = arith.addi %mul3A_4, %mul3A_33 : i32
      %dma_wait3A = arith.constant 1 : i32
      %dma_wait3A_35 = arith.constant 0 : i32
      %dma_wait3A_36 = tpu.memref_slice %arg6[%scan3A_31, %dma_wait3A_35] : memref<125x80xi32, #tpu.memory_space<vmem>> -> memref<1x80xi32, #tpu.memory_space<vmem>>
      %dma_wait3A_37 = tpu.memref_squeeze %dma_wait3A_36 : memref<1x80xi32, #tpu.memory_space<vmem>> -> memref<80xi32, #tpu.memory_space<vmem>>
      %dma_wait3A_38 = tpu.memref_slice %arg2[%dma_wait3A, %add3A_34] : memref<2x320000xi32, #tpu.memory_space<hbm>> -> memref<1x80xi32, #tpu.memory_space<hbm>>
      %dma_wait3A_39 = tpu.memref_squeeze %dma_wait3A_38 : memref<1x80xi32, #tpu.memory_space<hbm>> -> memref<80xi32, #tpu.memory_space<hbm>>
      %dma_wait3A_40 = arith.constant 0 : i32
      %dma_wait3A_41 = tpu.memref_slice %arg6[%scan3A_31, %dma_wait3A_40] : memref<125x80xi32, #tpu.memory_space<vmem>> -> memref<1x80xi32, #tpu.memory_space<vmem>>
      %dma_wait3A_42 = tpu.memref_squeeze %dma_wait3A_41 : memref<1x80xi32, #tpu.memory_space<vmem>> -> memref<80xi32, #tpu.memory_space<vmem>>
      %dma_wait3A_43 = tpu.memref_slice %arg2[%dma_wait3A, %add3A_34] : memref<2x320000xi32, #tpu.memory_space<hbm>> -> memref<1x80xi32, #tpu.memory_space<hbm>>
      %dma_wait3A_44 = tpu.memref_squeeze %dma_wait3A_43 : memref<1x80xi32, #tpu.memory_space<hbm>> -> memref<80xi32, #tpu.memory_space<hbm>>
      tpu.wait_dma2 semaphore(%arg10 : memref<!tpu.dma_semaphore, #tpu.memory_space<semaphore_mem>>) src(%dma_wait3A_44 : memref<80xi32, #tpu.memory_space<hbm>>) dst(%dma_wait3A_42 : memref<80xi32, #tpu.memory_space<vmem>>)
    }
    %scan3A_15 = arith.constant 125 : i32
    tpu.wait_dma2 semaphore(%arg9 : memref<!tpu.dma_semaphore, #tpu.memory_space<semaphore_mem>>) src(%arg3 : memref<80x16xf32, #tpu.memory_space<hbm>>) dst(%arg7 : memref<80x16xf32, #tpu.memory_space<vmem>>)
    %barrier3A = arith.constant 0 : index
    tpu.barrier barrier_id(%barrier3A)
    %scan3A_16 = arith.constant 0 : i32
    %scan3A_17 = arith.constant 0 : i32
    %scan3A_18 = arith.constant 125 : i32
    %scan3A_19 = arith.addi %scan3A_17, %scan3A_18 : i32
    %scan3A_20 = arith.constant 1 : i32
    scf.for %scan3A_31 = %scan3A_17 to %scan3A_19 step %scan3A_20  : i32 {
      %dma_start3A = arith.constant 0 : i32
      %dma_start3A_32 = tpu.memref_slice %arg6[%scan3A_31, %dma_start3A] : memref<125x80xi32, #tpu.memory_space<vmem>> -> memref<1x80xi32, #tpu.memory_space<vmem>>
      %dma_start3A_33 = tpu.memref_squeeze %dma_start3A_32 : memref<1x80xi32, #tpu.memory_space<vmem>> -> memref<80xi32, #tpu.memory_space<vmem>>
      %dma_start3A_34 = arith.constant 0 : i32
      %dma_start3A_35 = arith.constant 0 : i32
      %dma_start3A_36 = tpu.memref_slice %arg8[%dma_start3A_34, %dma_start3A_35] : memref<10240x16xf32, #tpu.memory_space<vmem_shared>> -> memref<10240x16xf32, #tpu.memory_space<vmem_shared>>
      tpu.enqueue_indirect_dma source(%arg7 : memref<80x16xf32, #tpu.memory_space<vmem>>) target(%dma_start3A_36 : memref<10240x16xf32, #tpu.memory_space<vmem_shared>>) offsets(%dma_start3A_33 : memref<80xi32, #tpu.memory_space<vmem>>) semaphore(%arg10 : memref<!tpu.dma_semaphore, #tpu.memory_space<semaphore_mem>>) {add = true}
    }
    %scan3A_21 = arith.constant 125 : i32
    %scan3A_22 = arith.constant 0 : i32
    %scan3A_23 = arith.constant 0 : i32
    %scan3A_24 = arith.constant 125 : i32
    %scan3A_25 = arith.addi %scan3A_23, %scan3A_24 : i32
    %scan3A_26 = arith.constant 1 : i32
    scf.for %scan3A_31 = %scan3A_23 to %scan3A_25 step %scan3A_26  : i32 {
      %dma_wait3A = arith.constant 0 : i32
      %dma_wait3A_32 = tpu.memref_slice %arg6[%scan3A_31, %dma_wait3A] : memref<125x80xi32, #tpu.memory_space<vmem>> -> memref<1x80xi32, #tpu.memory_space<vmem>>
      %dma_wait3A_33 = tpu.memref_squeeze %dma_wait3A_32 : memref<1x80xi32, #tpu.memory_space<vmem>> -> memref<80xi32, #tpu.memory_space<vmem>>
      %dma_wait3A_34 = arith.constant 0 : i32
      %dma_wait3A_35 = arith.constant 0 : i32
      %dma_wait3A_36 = tpu.memref_slice %arg8[%dma_wait3A_34, %dma_wait3A_35] : memref<10240x16xf32, #tpu.memory_space<vmem_shared>> -> memref<10240x16xf32, #tpu.memory_space<vmem_shared>>
      tpu.wait_indirect_dma semaphore(%arg10 : memref<!tpu.dma_semaphore, #tpu.memory_space<semaphore_mem>>) src(%arg7 : memref<80x16xf32, #tpu.memory_space<vmem>>) dst(%dma_wait3A_36 : memref<10240x16xf32, #tpu.memory_space<vmem_shared>>)
    }
    %scan3A_27 = arith.constant 125 : i32
    %barrier3A_28 = arith.constant 0 : index
    tpu.barrier barrier_id(%barrier3A_28)
    %mul3A_29 = arith.constant 640 : i32
    %mul3A_30 = arith.muli %arg1, %mul3A_29 : i32
    "tpu.region"() ({
      %run_scoped3A = tpu.sem_alloc : memref<!tpu.dma_semaphore, #tpu.memory_space<semaphore_mem>>
      %dma_start3A = arith.constant 0 : i32
      %dma_start3A_31 = tpu.memref_slice %arg5[%arg0, %mul3A_30, %dma_start3A] : memref<2x10240x16xf32, #tpu.memory_space<hbm>> -> memref<1x640x16xf32, #tpu.memory_space<hbm>>
      %dma_start3A_32 = tpu.memref_squeeze %dma_start3A_31 : memref<1x640x16xf32, #tpu.memory_space<hbm>> -> memref<640x16xf32, #tpu.memory_space<hbm>>
      %dma_start3A_33 = arith.constant 0 : i32
      %dma_start3A_34 = tpu.memref_slice %arg8[%mul3A_30, %dma_start3A_33] : memref<10240x16xf32, #tpu.memory_space<vmem_shared>> -> memref<640x16xf32, #tpu.memory_space<vmem_shared>>
      tpu.enqueue_dma source(%dma_start3A_34 : memref<640x16xf32, #tpu.memory_space<vmem_shared>>) target(%dma_start3A_32 : memref<640x16xf32, #tpu.memory_space<hbm>>) target_semaphore(%run_scoped3A : memref<!tpu.dma_semaphore, #tpu.memory_space<semaphore_mem>>)
      %dma_wait3A = arith.constant 0 : i32
      %dma_wait3A_35 = tpu.memref_slice %arg5[%arg0, %mul3A_30, %dma_wait3A] : memref<2x10240x16xf32, #tpu.memory_space<hbm>> -> memref<1x640x16xf32, #tpu.memory_space<hbm>>
      %dma_wait3A_36 = tpu.memref_squeeze %dma_wait3A_35 : memref<1x640x16xf32, #tpu.memory_space<hbm>> -> memref<640x16xf32, #tpu.memory_space<hbm>>
      %dma_wait3A_37 = arith.constant 0 : i32
      %dma_wait3A_38 = tpu.memref_slice %arg8[%mul3A_30, %dma_wait3A_37] : memref<10240x16xf32, #tpu.memory_space<vmem_shared>> -> memref<640x16xf32, #tpu.memory_space<vmem_shared>>
      tpu.wait_dma2 semaphore(%run_scoped3A : memref<!tpu.dma_semaphore, #tpu.memory_space<semaphore_mem>>) src(%dma_wait3A_38 : memref<640x16xf32, #tpu.memory_space<vmem_shared>>) dst(%dma_wait3A_36 : memref<640x16xf32, #tpu.memory_space<hbm>>)
      tpu.yield
    }) : () -> ()
    return
  }
}

#map = affine_map<(d0, d1) -> (0, 0)>
#map1 = affine_map<(d0, d1) -> (0, 0, 0)>
module attributes {stable_mosaic.version = 14 : i64} {
  func.func @_sc_edge_scatter(%arg0: i32, %arg1: i32, %arg2: memref<10240x64xf32, #tpu.memory_space<hbm>>, %arg3: memref<2x320000xi32, #tpu.memory_space<hbm>>, %arg4: memref<640x64xf32, #tpu.memory_space<hbm>>, %arg5: memref<2x10240x64xf32, #tpu.memory_space<hbm>>, %arg6: memref<10000xi32, #tpu.memory_space<vmem>>, %arg7: memref<125x80xi32, #tpu.memory_space<vmem>>, %arg8: memref<80x64xf32, #tpu.memory_space<vmem>>, %arg9: memref<80x64xf32, #tpu.memory_space<vmem>>, %arg10: memref<10240x64xf32, #tpu.memory_space<vmem_shared>>, %arg11: memref<10240x64xf32, #tpu.memory_space<vmem_shared>>, %arg12: memref<!tpu.dma_semaphore, #tpu.memory_space<semaphore_mem>>, %arg13: memref<!tpu.dma_semaphore, #tpu.memory_space<semaphore_mem>>, %arg14: memref<!tpu.dma_semaphore, #tpu.memory_space<semaphore_mem>>, %arg15: memref<!tpu.dma_semaphore, #tpu.memory_space<semaphore_mem>>) attributes {dimension_semantics = [#tpu.dimension_semantics<core_parallel>, #tpu.dimension_semantics<subcore_parallel>], iteration_bounds = array<i64: 2, 16>, scalar_prefetch = 0 : i64, scratch_operands = 10 : i64, tpu.core_type = #tpu.core_type<sc_vector_subcore>, window_params = [{transform_indices = #map}, {transform_indices = #map}, {transform_indices = #map}, {transform_indices = #map1}]} {
    %mul3A = arith.constant 2 : i32
    %mul3A_0 = arith.muli %arg1, %mul3A : i32
    %add3A = arith.addi %mul3A_0, %arg0 : i32
    %mul3A_1 = arith.constant 10000 : i32
    %mul3A_2 = arith.muli %add3A, %mul3A_1 : i32
    %mul3A_3 = arith.constant 640 : i32
    %mul3A_4 = arith.muli %arg1, %mul3A_3 : i32
    %dma_start3A = arith.constant 0 : i32
    %dma_start3A_5 = tpu.memref_slice %arg3[%dma_start3A, %mul3A_2] : memref<2x320000xi32, #tpu.memory_space<hbm>> -> memref<1x10000xi32, #tpu.memory_space<hbm>>
    %dma_start3A_6 = tpu.memref_squeeze %dma_start3A_5 : memref<1x10000xi32, #tpu.memory_space<hbm>> -> memref<10000xi32, #tpu.memory_space<hbm>>
    %dma_start3A_7 = tpu.memref_slice %arg3[%dma_start3A, %mul3A_2] : memref<2x320000xi32, #tpu.memory_space<hbm>> -> memref<1x10000xi32, #tpu.memory_space<hbm>>
    %dma_start3A_8 = tpu.memref_squeeze %dma_start3A_7 : memref<1x10000xi32, #tpu.memory_space<hbm>> -> memref<10000xi32, #tpu.memory_space<hbm>>
    tpu.enqueue_dma source(%dma_start3A_8 : memref<10000xi32, #tpu.memory_space<hbm>>) target(%arg6 : memref<10000xi32, #tpu.memory_space<vmem>>) target_semaphore(%arg12 : memref<!tpu.dma_semaphore, #tpu.memory_space<semaphore_mem>>)
    %dma_start3A_9 = arith.constant 0 : i32
    %dma_start3A_10 = tpu.memref_slice %arg10[%mul3A_4, %dma_start3A_9] : memref<10240x64xf32, #tpu.memory_space<vmem_shared>> -> memref<640x64xf32, #tpu.memory_space<vmem_shared>>
    tpu.enqueue_dma source(%arg4 : memref<640x64xf32, #tpu.memory_space<hbm>>) target(%dma_start3A_10 : memref<640x64xf32, #tpu.memory_space<vmem_shared>>) target_semaphore(%arg14 : memref<!tpu.dma_semaphore, #tpu.memory_space<semaphore_mem>>)
    %dma_start3A_11 = arith.constant 0 : i32
    %dma_start3A_12 = tpu.memref_slice %arg11[%mul3A_4, %dma_start3A_11] : memref<10240x64xf32, #tpu.memory_space<vmem_shared>> -> memref<640x64xf32, #tpu.memory_space<vmem_shared>>
    %dma_start3A_13 = arith.constant 0 : i32
    %dma_start3A_14 = tpu.memref_slice %arg2[%mul3A_4, %dma_start3A_13] : memref<10240x64xf32, #tpu.memory_space<hbm>> -> memref<640x64xf32, #tpu.memory_space<hbm>>
    tpu.enqueue_dma source(%dma_start3A_14 : memref<640x64xf32, #tpu.memory_space<hbm>>) target(%dma_start3A_12 : memref<640x64xf32, #tpu.memory_space<vmem_shared>>) target_semaphore(%arg15 : memref<!tpu.dma_semaphore, #tpu.memory_space<semaphore_mem>>)
    %scan3A = arith.constant 0 : i32
    %scan3A_15 = arith.constant 0 : i32
    %scan3A_16 = arith.constant 125 : i32
    %scan3A_17 = arith.addi %scan3A_15, %scan3A_16 : i32
    %scan3A_18 = arith.constant 1 : i32
    scf.for %scan3A_69 = %scan3A_15 to %scan3A_17 step %scan3A_18  : i32 {
      %mul3A_70 = arith.constant 80 : i32
      %mul3A_71 = arith.muli %scan3A_69, %mul3A_70 : i32
      %add3A_72 = arith.addi %mul3A_2, %mul3A_71 : i32
      %dma_start3A_73 = arith.constant 1 : i32
      %dma_start3A_74 = arith.constant 0 : i32
      %dma_start3A_75 = tpu.memref_slice %arg7[%scan3A_69, %dma_start3A_74] : memref<125x80xi32, #tpu.memory_space<vmem>> -> memref<1x80xi32, #tpu.memory_space<vmem>>
      %dma_start3A_76 = tpu.memref_squeeze %dma_start3A_75 : memref<1x80xi32, #tpu.memory_space<vmem>> -> memref<80xi32, #tpu.memory_space<vmem>>
      %dma_start3A_77 = tpu.memref_slice %arg3[%dma_start3A_73, %add3A_72] : memref<2x320000xi32, #tpu.memory_space<hbm>> -> memref<1x80xi32, #tpu.memory_space<hbm>>
      %dma_start3A_78 = tpu.memref_squeeze %dma_start3A_77 : memref<1x80xi32, #tpu.memory_space<hbm>> -> memref<80xi32, #tpu.memory_space<hbm>>
      %dma_start3A_79 = arith.constant 0 : i32
      %dma_start3A_80 = tpu.memref_slice %arg7[%scan3A_69, %dma_start3A_79] : memref<125x80xi32, #tpu.memory_space<vmem>> -> memref<1x80xi32, #tpu.memory_space<vmem>>
      %dma_start3A_81 = tpu.memref_squeeze %dma_start3A_80 : memref<1x80xi32, #tpu.memory_space<vmem>> -> memref<80xi32, #tpu.memory_space<vmem>>
      %dma_start3A_82 = tpu.memref_slice %arg3[%dma_start3A_73, %add3A_72] : memref<2x320000xi32, #tpu.memory_space<hbm>> -> memref<1x80xi32, #tpu.memory_space<hbm>>
      %dma_start3A_83 = tpu.memref_squeeze %dma_start3A_82 : memref<1x80xi32, #tpu.memory_space<hbm>> -> memref<80xi32, #tpu.memory_space<hbm>>
      tpu.enqueue_dma source(%dma_start3A_83 : memref<80xi32, #tpu.memory_space<hbm>>) target(%dma_start3A_81 : memref<80xi32, #tpu.memory_space<vmem>>) target_semaphore(%arg13 : memref<!tpu.dma_semaphore, #tpu.memory_space<semaphore_mem>>)
    }
    %scan3A_19 = arith.constant 125 : i32
    %scan3A_20 = arith.constant 0 : i32
    %scan3A_21 = arith.constant 0 : i32
    %scan3A_22 = arith.constant 125 : i32
    %scan3A_23 = arith.addi %scan3A_21, %scan3A_22 : i32
    %scan3A_24 = arith.constant 1 : i32
    scf.for %scan3A_69 = %scan3A_21 to %scan3A_23 step %scan3A_24  : i32 {
      %mul3A_70 = arith.constant 80 : i32
      %mul3A_71 = arith.muli %scan3A_69, %mul3A_70 : i32
      %add3A_72 = arith.addi %mul3A_2, %mul3A_71 : i32
      %dma_wait3A_73 = arith.constant 1 : i32
      %dma_wait3A_74 = arith.constant 0 : i32
      %dma_wait3A_75 = tpu.memref_slice %arg7[%scan3A_69, %dma_wait3A_74] : memref<125x80xi32, #tpu.memory_space<vmem>> -> memref<1x80xi32, #tpu.memory_space<vmem>>
      %dma_wait3A_76 = tpu.memref_squeeze %dma_wait3A_75 : memref<1x80xi32, #tpu.memory_space<vmem>> -> memref<80xi32, #tpu.memory_space<vmem>>
      %dma_wait3A_77 = tpu.memref_slice %arg3[%dma_wait3A_73, %add3A_72] : memref<2x320000xi32, #tpu.memory_space<hbm>> -> memref<1x80xi32, #tpu.memory_space<hbm>>
      %dma_wait3A_78 = tpu.memref_squeeze %dma_wait3A_77 : memref<1x80xi32, #tpu.memory_space<hbm>> -> memref<80xi32, #tpu.memory_space<hbm>>
      %dma_wait3A_79 = arith.constant 0 : i32
      %dma_wait3A_80 = tpu.memref_slice %arg7[%scan3A_69, %dma_wait3A_79] : memref<125x80xi32, #tpu.memory_space<vmem>> -> memref<1x80xi32, #tpu.memory_space<vmem>>
      %dma_wait3A_81 = tpu.memref_squeeze %dma_wait3A_80 : memref<1x80xi32, #tpu.memory_space<vmem>> -> memref<80xi32, #tpu.memory_space<vmem>>
      %dma_wait3A_82 = tpu.memref_slice %arg3[%dma_wait3A_73, %add3A_72] : memref<2x320000xi32, #tpu.memory_space<hbm>> -> memref<1x80xi32, #tpu.memory_space<hbm>>
      %dma_wait3A_83 = tpu.memref_squeeze %dma_wait3A_82 : memref<1x80xi32, #tpu.memory_space<hbm>> -> memref<80xi32, #tpu.memory_space<hbm>>
      tpu.wait_dma2 semaphore(%arg13 : memref<!tpu.dma_semaphore, #tpu.memory_space<semaphore_mem>>) src(%dma_wait3A_83 : memref<80xi32, #tpu.memory_space<hbm>>) dst(%dma_wait3A_81 : memref<80xi32, #tpu.memory_space<vmem>>)
    }
    %scan3A_25 = arith.constant 125 : i32
    %dma_wait3A = arith.constant 0 : i32
    %dma_wait3A_26 = tpu.memref_slice %arg3[%dma_wait3A, %mul3A_2] : memref<2x320000xi32, #tpu.memory_space<hbm>> -> memref<1x10000xi32, #tpu.memory_space<hbm>>
    %dma_wait3A_27 = tpu.memref_squeeze %dma_wait3A_26 : memref<1x10000xi32, #tpu.memory_space<hbm>> -> memref<10000xi32, #tpu.memory_space<hbm>>
    %dma_wait3A_28 = tpu.memref_slice %arg3[%dma_wait3A, %mul3A_2] : memref<2x320000xi32, #tpu.memory_space<hbm>> -> memref<1x10000xi32, #tpu.memory_space<hbm>>
    %dma_wait3A_29 = tpu.memref_squeeze %dma_wait3A_28 : memref<1x10000xi32, #tpu.memory_space<hbm>> -> memref<10000xi32, #tpu.memory_space<hbm>>
    tpu.wait_dma2 semaphore(%arg12 : memref<!tpu.dma_semaphore, #tpu.memory_space<semaphore_mem>>) src(%dma_wait3A_29 : memref<10000xi32, #tpu.memory_space<hbm>>) dst(%arg6 : memref<10000xi32, #tpu.memory_space<vmem>>)
    %dma_wait3A_30 = arith.constant 0 : i32
    %dma_wait3A_31 = tpu.memref_slice %arg10[%mul3A_4, %dma_wait3A_30] : memref<10240x64xf32, #tpu.memory_space<vmem_shared>> -> memref<640x64xf32, #tpu.memory_space<vmem_shared>>
    tpu.wait_dma2 semaphore(%arg14 : memref<!tpu.dma_semaphore, #tpu.memory_space<semaphore_mem>>) src(%arg4 : memref<640x64xf32, #tpu.memory_space<hbm>>) dst(%dma_wait3A_31 : memref<640x64xf32, #tpu.memory_space<vmem_shared>>)
    %dma_wait3A_32 = arith.constant 0 : i32
    %dma_wait3A_33 = tpu.memref_slice %arg11[%mul3A_4, %dma_wait3A_32] : memref<10240x64xf32, #tpu.memory_space<vmem_shared>> -> memref<640x64xf32, #tpu.memory_space<vmem_shared>>
    %dma_wait3A_34 = arith.constant 0 : i32
    %dma_wait3A_35 = tpu.memref_slice %arg2[%mul3A_4, %dma_wait3A_34] : memref<10240x64xf32, #tpu.memory_space<hbm>> -> memref<640x64xf32, #tpu.memory_space<hbm>>
    tpu.wait_dma2 semaphore(%arg15 : memref<!tpu.dma_semaphore, #tpu.memory_space<semaphore_mem>>) src(%dma_wait3A_35 : memref<640x64xf32, #tpu.memory_space<hbm>>) dst(%dma_wait3A_33 : memref<640x64xf32, #tpu.memory_space<vmem_shared>>)
    %barrier3A = arith.constant 0 : index
    tpu.barrier barrier_id(%barrier3A)
    %dma_start3A_36 = arith.constant 0 : i32
    %dma_start3A_37 = tpu.memref_slice %arg6[%dma_start3A_36] : memref<10000xi32, #tpu.memory_space<vmem>> -> memref<80xi32, #tpu.memory_space<vmem>>
    %dma_start3A_38 = arith.constant 0 : i32
    %dma_start3A_39 = arith.constant 0 : i32
    %dma_start3A_40 = tpu.memref_slice %arg11[%dma_start3A_38, %dma_start3A_39] : memref<10240x64xf32, #tpu.memory_space<vmem_shared>> -> memref<10240x64xf32, #tpu.memory_space<vmem_shared>>
    tpu.enqueue_indirect_dma source(%dma_start3A_40 : memref<10240x64xf32, #tpu.memory_space<vmem_shared>>) target(%arg8 : memref<80x64xf32, #tpu.memory_space<vmem>>) offsets(%dma_start3A_37 : memref<80xi32, #tpu.memory_space<vmem>>) semaphore(%arg12 : memref<!tpu.dma_semaphore, #tpu.memory_space<semaphore_mem>>)
    %scan3A_41 = arith.constant 0 : i32
    %scan3A_42 = arith.constant 0 : i32
    %scan3A_43 = arith.constant 62 : i32
    %scan3A_44 = arith.addi %scan3A_42, %scan3A_43 : i32
    %scan3A_45 = arith.constant 1 : i32
    scf.for %scan3A_69 = %scan3A_42 to %scan3A_44 step %scan3A_45  : i32 {
      %mul3A_70 = arith.constant 2 : i32
      %mul3A_71 = arith.muli %mul3A_70, %scan3A_69 : i32
      %mul3A_72 = arith.constant 80 : i32
      %mul3A_73 = arith.muli %mul3A_71, %mul3A_72 : i32
      %dma_wait3A_74 = tpu.memref_slice %arg6[%mul3A_73] : memref<10000xi32, #tpu.memory_space<vmem>> -> memref<80xi32, #tpu.memory_space<vmem>>
      %dma_wait3A_75 = arith.constant 0 : i32
      %dma_wait3A_76 = arith.constant 0 : i32
      %dma_wait3A_77 = tpu.memref_slice %arg11[%dma_wait3A_75, %dma_wait3A_76] : memref<10240x64xf32, #tpu.memory_space<vmem_shared>> -> memref<10240x64xf32, #tpu.memory_space<vmem_shared>>
      tpu.wait_indirect_dma semaphore(%arg12 : memref<!tpu.dma_semaphore, #tpu.memory_space<semaphore_mem>>) src(%dma_wait3A_77 : memref<10240x64xf32, #tpu.memory_space<vmem_shared>>) dst(%arg8 : memref<80x64xf32, #tpu.memory_space<vmem>>)
      %add3A_78 = arith.constant 1 : i32
      %add3A_79 = arith.addi %mul3A_71, %add3A_78 : i32
      %mul3A_80 = arith.constant 80 : i32
      %mul3A_81 = arith.muli %add3A_79, %mul3A_80 : i32
      %dma_start3A_82 = tpu.memref_slice %arg6[%mul3A_81] : memref<10000xi32, #tpu.memory_space<vmem>> -> memref<80xi32, #tpu.memory_space<vmem>>
      %dma_start3A_83 = arith.constant 0 : i32
      %dma_start3A_84 = arith.constant 0 : i32
      %dma_start3A_85 = tpu.memref_slice %arg11[%dma_start3A_83, %dma_start3A_84] : memref<10240x64xf32, #tpu.memory_space<vmem_shared>> -> memref<10240x64xf32, #tpu.memory_space<vmem_shared>>
      tpu.enqueue_indirect_dma source(%dma_start3A_85 : memref<10240x64xf32, #tpu.memory_space<vmem_shared>>) target(%arg9 : memref<80x64xf32, #tpu.memory_space<vmem>>) offsets(%dma_start3A_82 : memref<80xi32, #tpu.memory_space<vmem>>) semaphore(%arg13 : memref<!tpu.dma_semaphore, #tpu.memory_space<semaphore_mem>>)
      %dma_start3A_86 = arith.constant 0 : i32
      %dma_start3A_87 = tpu.memref_slice %arg7[%mul3A_71, %dma_start3A_86] : memref<125x80xi32, #tpu.memory_space<vmem>> -> memref<1x80xi32, #tpu.memory_space<vmem>>
      %dma_start3A_88 = tpu.memref_squeeze %dma_start3A_87 : memref<1x80xi32, #tpu.memory_space<vmem>> -> memref<80xi32, #tpu.memory_space<vmem>>
      %dma_start3A_89 = arith.constant 0 : i32
      %dma_start3A_90 = arith.constant 0 : i32
      %dma_start3A_91 = tpu.memref_slice %arg10[%dma_start3A_89, %dma_start3A_90] : memref<10240x64xf32, #tpu.memory_space<vmem_shared>> -> memref<10240x64xf32, #tpu.memory_space<vmem_shared>>
      tpu.enqueue_indirect_dma source(%arg8 : memref<80x64xf32, #tpu.memory_space<vmem>>) target(%dma_start3A_91 : memref<10240x64xf32, #tpu.memory_space<vmem_shared>>) offsets(%dma_start3A_88 : memref<80xi32, #tpu.memory_space<vmem>>) semaphore(%arg14 : memref<!tpu.dma_semaphore, #tpu.memory_space<semaphore_mem>>) {add = true}
      %dma_wait3A_92 = tpu.memref_slice %arg6[%mul3A_81] : memref<10000xi32, #tpu.memory_space<vmem>> -> memref<80xi32, #tpu.memory_space<vmem>>
      %dma_wait3A_93 = arith.constant 0 : i32
      %dma_wait3A_94 = arith.constant 0 : i32
      %dma_wait3A_95 = tpu.memref_slice %arg11[%dma_wait3A_93, %dma_wait3A_94] : memref<10240x64xf32, #tpu.memory_space<vmem_shared>> -> memref<10240x64xf32, #tpu.memory_space<vmem_shared>>
      tpu.wait_indirect_dma semaphore(%arg13 : memref<!tpu.dma_semaphore, #tpu.memory_space<semaphore_mem>>) src(%dma_wait3A_95 : memref<10240x64xf32, #tpu.memory_space<vmem_shared>>) dst(%arg9 : memref<80x64xf32, #tpu.memory_space<vmem>>)
      %add3A_96 = arith.constant 1 : i32
      %add3A_97 = arith.addi %mul3A_71, %add3A_96 : i32
      %dma_start3A_98 = arith.constant 0 : i32
      %dma_start3A_99 = tpu.memref_slice %arg7[%add3A_97, %dma_start3A_98] : memref<125x80xi32, #tpu.memory_space<vmem>> -> memref<1x80xi32, #tpu.memory_space<vmem>>
      %dma_start3A_100 = tpu.memref_squeeze %dma_start3A_99 : memref<1x80xi32, #tpu.memory_space<vmem>> -> memref<80xi32, #tpu.memory_space<vmem>>
      %dma_start3A_101 = arith.constant 0 : i32
      %dma_start3A_102 = arith.constant 0 : i32
      %dma_start3A_103 = tpu.memref_slice %arg10[%dma_start3A_101, %dma_start3A_102] : memref<10240x64xf32, #tpu.memory_space<vmem_shared>> -> memref<10240x64xf32, #tpu.memory_space<vmem_shared>>
      tpu.enqueue_indirect_dma source(%arg9 : memref<80x64xf32, #tpu.memory_space<vmem>>) target(%dma_start3A_103 : memref<10240x64xf32, #tpu.memory_space<vmem_shared>>) offsets(%dma_start3A_100 : memref<80xi32, #tpu.memory_space<vmem>>) semaphore(%arg15 : memref<!tpu.dma_semaphore, #tpu.memory_space<semaphore_mem>>) {add = true}
      %dma_wait3A_104 = arith.constant 0 : i32
      %dma_wait3A_105 = tpu.memref_slice %arg7[%mul3A_71, %dma_wait3A_104] : memref<125x80xi32, #tpu.memory_space<vmem>> -> memref<1x80xi32, #tpu.memory_space<vmem>>
      %dma_wait3A_106 = tpu.memref_squeeze %dma_wait3A_105 : memref<1x80xi32, #tpu.memory_space<vmem>> -> memref<80xi32, #tpu.memory_space<vmem>>
      %dma_wait3A_107 = arith.constant 0 : i32
      %dma_wait3A_108 = arith.constant 0 : i32
      %dma_wait3A_109 = tpu.memref_slice %arg10[%dma_wait3A_107, %dma_wait3A_108] : memref<10240x64xf32, #tpu.memory_space<vmem_shared>> -> memref<10240x64xf32, #tpu.memory_space<vmem_shared>>
      tpu.wait_indirect_dma semaphore(%arg14 : memref<!tpu.dma_semaphore, #tpu.memory_space<semaphore_mem>>) src(%arg8 : memref<80x64xf32, #tpu.memory_space<vmem>>) dst(%dma_wait3A_109 : memref<10240x64xf32, #tpu.memory_space<vmem_shared>>)
      %add3A_110 = arith.constant 2 : i32
      %add3A_111 = arith.addi %mul3A_71, %add3A_110 : i32
      %mul3A_112 = arith.constant 80 : i32
      %mul3A_113 = arith.muli %add3A_111, %mul3A_112 : i32
      %dma_start3A_114 = tpu.memref_slice %arg6[%mul3A_113] : memref<10000xi32, #tpu.memory_space<vmem>> -> memref<80xi32, #tpu.memory_space<vmem>>
      %dma_start3A_115 = arith.constant 0 : i32
      %dma_start3A_116 = arith.constant 0 : i32
      %dma_start3A_117 = tpu.memref_slice %arg11[%dma_start3A_115, %dma_start3A_116] : memref<10240x64xf32, #tpu.memory_space<vmem_shared>> -> memref<10240x64xf32, #tpu.memory_space<vmem_shared>>
      tpu.enqueue_indirect_dma source(%dma_start3A_117 : memref<10240x64xf32, #tpu.memory_space<vmem_shared>>) target(%arg8 : memref<80x64xf32, #tpu.memory_space<vmem>>) offsets(%dma_start3A_114 : memref<80xi32, #tpu.memory_space<vmem>>) semaphore(%arg12 : memref<!tpu.dma_semaphore, #tpu.memory_space<semaphore_mem>>)
      %dma_wait3A_118 = arith.constant 0 : i32
      %dma_wait3A_119 = tpu.memref_slice %arg7[%add3A_97, %dma_wait3A_118] : memref<125x80xi32, #tpu.memory_space<vmem>> -> memref<1x80xi32, #tpu.memory_space<vmem>>
      %dma_wait3A_120 = tpu.memref_squeeze %dma_wait3A_119 : memref<1x80xi32, #tpu.memory_space<vmem>> -> memref<80xi32, #tpu.memory_space<vmem>>
      %dma_wait3A_121 = arith.constant 0 : i32
      %dma_wait3A_122 = arith.constant 0 : i32
      %dma_wait3A_123 = tpu.memref_slice %arg10[%dma_wait3A_121, %dma_wait3A_122] : memref<10240x64xf32, #tpu.memory_space<vmem_shared>> -> memref<10240x64xf32, #tpu.memory_space<vmem_shared>>
      tpu.wait_indirect_dma semaphore(%arg15 : memref<!tpu.dma_semaphore, #tpu.memory_space<semaphore_mem>>) src(%arg9 : memref<80x64xf32, #tpu.memory_space<vmem>>) dst(%dma_wait3A_123 : memref<10240x64xf32, #tpu.memory_space<vmem_shared>>)
    }
    %scan3A_46 = arith.constant 62 : i32
    %dma_wait3A_47 = arith.constant 9920 : i32
    %dma_wait3A_48 = tpu.memref_slice %arg6[%dma_wait3A_47] : memref<10000xi32, #tpu.memory_space<vmem>> -> memref<80xi32, #tpu.memory_space<vmem>>
    %dma_wait3A_49 = arith.constant 0 : i32
    %dma_wait3A_50 = arith.constant 0 : i32
    %dma_wait3A_51 = tpu.memref_slice %arg11[%dma_wait3A_49, %dma_wait3A_50] : memref<10240x64xf32, #tpu.memory_space<vmem_shared>> -> memref<10240x64xf32, #tpu.memory_space<vmem_shared>>
    tpu.wait_indirect_dma semaphore(%arg12 : memref<!tpu.dma_semaphore, #tpu.memory_space<semaphore_mem>>) src(%dma_wait3A_51 : memref<10240x64xf32, #tpu.memory_space<vmem_shared>>) dst(%arg8 : memref<80x64xf32, #tpu.memory_space<vmem>>)
    %dma_start3A_52 = arith.constant 124 : i32
    %dma_start3A_53 = arith.constant 0 : i32
    %dma_start3A_54 = tpu.memref_slice %arg7[%dma_start3A_52, %dma_start3A_53] : memref<125x80xi32, #tpu.memory_space<vmem>> -> memref<1x80xi32, #tpu.memory_space<vmem>>
    %dma_start3A_55 = tpu.memref_squeeze %dma_start3A_54 : memref<1x80xi32, #tpu.memory_space<vmem>> -> memref<80xi32, #tpu.memory_space<vmem>>
    %dma_start3A_56 = arith.constant 0 : i32
    %dma_start3A_57 = arith.constant 0 : i32
    %dma_start3A_58 = tpu.memref_slice %arg10[%dma_start3A_56, %dma_start3A_57] : memref<10240x64xf32, #tpu.memory_space<vmem_shared>> -> memref<10240x64xf32, #tpu.memory_space<vmem_shared>>
    tpu.enqueue_indirect_dma source(%arg8 : memref<80x64xf32, #tpu.memory_space<vmem>>) target(%dma_start3A_58 : memref<10240x64xf32, #tpu.memory_space<vmem_shared>>) offsets(%dma_start3A_55 : memref<80xi32, #tpu.memory_space<vmem>>) semaphore(%arg14 : memref<!tpu.dma_semaphore, #tpu.memory_space<semaphore_mem>>) {add = true}
    %dma_wait3A_59 = arith.constant 124 : i32
    %dma_wait3A_60 = arith.constant 0 : i32
    %dma_wait3A_61 = tpu.memref_slice %arg7[%dma_wait3A_59, %dma_wait3A_60] : memref<125x80xi32, #tpu.memory_space<vmem>> -> memref<1x80xi32, #tpu.memory_space<vmem>>
    %dma_wait3A_62 = tpu.memref_squeeze %dma_wait3A_61 : memref<1x80xi32, #tpu.memory_space<vmem>> -> memref<80xi32, #tpu.memory_space<vmem>>
    %dma_wait3A_63 = arith.constant 0 : i32
    %dma_wait3A_64 = arith.constant 0 : i32
    %dma_wait3A_65 = tpu.memref_slice %arg10[%dma_wait3A_63, %dma_wait3A_64] : memref<10240x64xf32, #tpu.memory_space<vmem_shared>> -> memref<10240x64xf32, #tpu.memory_space<vmem_shared>>
    tpu.wait_indirect_dma semaphore(%arg14 : memref<!tpu.dma_semaphore, #tpu.memory_space<semaphore_mem>>) src(%arg8 : memref<80x64xf32, #tpu.memory_space<vmem>>) dst(%dma_wait3A_65 : memref<10240x64xf32, #tpu.memory_space<vmem_shared>>)
    %barrier3A_66 = arith.constant 0 : index
    tpu.barrier barrier_id(%barrier3A_66)
    %mul3A_67 = arith.constant 640 : i32
    %mul3A_68 = arith.muli %arg1, %mul3A_67 : i32
    "tpu.region"() ({
      %run_scoped3A = tpu.sem_alloc : memref<!tpu.dma_semaphore, #tpu.memory_space<semaphore_mem>>
      %dma_start3A_69 = arith.constant 0 : i32
      %dma_start3A_70 = tpu.memref_slice %arg5[%arg0, %mul3A_68, %dma_start3A_69] : memref<2x10240x64xf32, #tpu.memory_space<hbm>> -> memref<1x640x64xf32, #tpu.memory_space<hbm>>
      %dma_start3A_71 = tpu.memref_squeeze %dma_start3A_70 : memref<1x640x64xf32, #tpu.memory_space<hbm>> -> memref<640x64xf32, #tpu.memory_space<hbm>>
      %dma_start3A_72 = arith.constant 0 : i32
      %dma_start3A_73 = tpu.memref_slice %arg10[%mul3A_68, %dma_start3A_72] : memref<10240x64xf32, #tpu.memory_space<vmem_shared>> -> memref<640x64xf32, #tpu.memory_space<vmem_shared>>
      tpu.enqueue_dma source(%dma_start3A_73 : memref<640x64xf32, #tpu.memory_space<vmem_shared>>) target(%dma_start3A_71 : memref<640x64xf32, #tpu.memory_space<hbm>>) target_semaphore(%run_scoped3A : memref<!tpu.dma_semaphore, #tpu.memory_space<semaphore_mem>>)
      %dma_wait3A_74 = arith.constant 0 : i32
      %dma_wait3A_75 = tpu.memref_slice %arg5[%arg0, %mul3A_68, %dma_wait3A_74] : memref<2x10240x64xf32, #tpu.memory_space<hbm>> -> memref<1x640x64xf32, #tpu.memory_space<hbm>>
      %dma_wait3A_76 = tpu.memref_squeeze %dma_wait3A_75 : memref<1x640x64xf32, #tpu.memory_space<hbm>> -> memref<640x64xf32, #tpu.memory_space<hbm>>
      %dma_wait3A_77 = arith.constant 0 : i32
      %dma_wait3A_78 = tpu.memref_slice %arg10[%mul3A_68, %dma_wait3A_77] : memref<10240x64xf32, #tpu.memory_space<vmem_shared>> -> memref<640x64xf32, #tpu.memory_space<vmem_shared>>
      tpu.wait_dma2 semaphore(%run_scoped3A : memref<!tpu.dma_semaphore, #tpu.memory_space<semaphore_mem>>) src(%dma_wait3A_78 : memref<640x64xf32, #tpu.memory_space<vmem_shared>>) dst(%dma_wait3A_76 : memref<640x64xf32, #tpu.memory_space<hbm>>)
      tpu.yield
    }) : () -> ()
    return
  }
}

module attributes {stable_mosaic.version = 14 : i64} {
  func.func @_tc0_body(%arg0: memref<10000x128xf32, #tpu.memory_space<vmem>>, %arg1: memref<128x64xf32, #tpu.memory_space<vmem>>, %arg2: memref<10240x64xf32, #tpu.memory_space<vmem>>) attributes {dimension_semantics = [], scalar_prefetch = 0 : i64, scratch_operands = 0 : i64, tpu.core_type = #tpu.core_type<tc>} {
    %get3A = arith.constant 0 : index
    %get3A_0 = arith.constant 0 : index
    %get3A_1 = vector.load %arg0[%get3A, %get3A_0] : memref<10000x128xf32, #tpu.memory_space<vmem>>, vector<10000x128xf32>
    %get3A_2 = arith.constant 0 : index
    %get3A_3 = arith.constant 0 : index
    %get3A_4 = vector.load %arg1[%get3A_2, %get3A_3] : memref<128x64xf32, #tpu.memory_space<vmem>>, vector<128x64xf32>
    %dot_general3A = arith.constant dense<0.000000e+00> : vector<10000x64xf32>
    %dot_general3A_5 = tpu.matmul %get3A_1, %get3A_4, %dot_general3A {dimension_numbers = #tpu.dot_dimension_numbers<[1], [0], [0], [1], [0, 0, 1, 1], [], []>, transpose_lhs_hint = false} : vector<10000x128xf32>, vector<128x64xf32>, vector<10000x64xf32> -> vector<10000x64xf32>
    %swap3A = arith.constant 0 : index
    %swap3A_6 = arith.constant 0 : index
    %swap3A_7 = vector.load %arg2[%swap3A, %swap3A_6] : memref<10240x64xf32, #tpu.memory_space<vmem>>, vector<10000x64xf32>
    tpu.vector_store %arg2[%swap3A, %swap3A_6], %dot_general3A_5 {strides = array<i32>} : memref<10240x64xf32, #tpu.memory_space<vmem>>, vector<10000x64xf32>,
    %broadcast_in_dim3A = arith.constant 0.000000e+00 : f32
    %broadcast_in_dim3A_8 = vector.broadcast %broadcast_in_dim3A : f32 to vector<240x64xf32>
    %swap3A_9 = arith.constant 10000 : index
    %swap3A_10 = arith.constant 0 : index
    %swap3A_11 = vector.load %arg2[%swap3A_9, %swap3A_10] : memref<10240x64xf32, #tpu.memory_space<vmem>>, vector<240x64xf32>
    tpu.vector_store %arg2[%swap3A_9, %swap3A_10], %broadcast_in_dim3A_8 {strides = array<i32>} : memref<10240x64xf32, #tpu.memory_space<vmem>>, vector<240x64xf32>,
    return
  }
}

module attributes {stable_mosaic.version = 14 : i64} {
  func.func @_tc1_body(%arg0: i32, %arg1: memref<2x1280x16xf32, #tpu.memory_space<vmem>>, %arg2: memref<1280x64xf32, #tpu.memory_space<vmem>>, %arg3: memref<1280x64xf32, #tpu.memory_space<vmem>>) attributes {dimension_semantics = [#tpu.dimension_semantics<arbitrary>], iteration_bounds = array<i64: 8>, scalar_prefetch = 0 : i64, scratch_operands = 0 : i64, tpu.core_type = #tpu.core_type<tc>, window_params = [{transform_indices = @transform_0, window_bounds = array<i64: 2, 1280, 16>}, {transform_indices = @transform_1, window_bounds = array<i64: 1280, 64>}, {transform_indices = @transform_2, window_bounds = array<i64: 1280, 64>}]} {
    %get3A = arith.constant 0 : index
    %get3A_0 = arith.constant 0 : index
    %get3A_1 = arith.constant 0 : index
    %get3A_2 = vector.load %arg1[%get3A, %get3A_0, %get3A_1] : memref<2x1280x16xf32, #tpu.memory_space<vmem>>, vector<1x1280x1xf32>
    %get3A_3 = vector.shape_cast %get3A_2 : vector<1x1280x1xf32> to vector<1280xf32>
    %get3A_4 = arith.constant 1 : index
    %get3A_5 = arith.constant 0 : index
    %get3A_6 = arith.constant 0 : index
    %get3A_7 = vector.load %arg1[%get3A_4, %get3A_5, %get3A_6] : memref<2x1280x16xf32, #tpu.memory_space<vmem>>, vector<1x1280x1xf32>
    %get3A_8 = vector.shape_cast %get3A_7 : vector<1x1280x1xf32> to vector<1280xf32>
    %add3A = arith.addf %get3A_3, %get3A_8 : vector<1280xf32>
    %add3A_9 = arith.constant 1.000000e+00 : f32
    %add3A_10 = vector.broadcast %add3A_9 : f32 to vector<1280xf32>
    %add3A_11 = arith.addf %add3A, %add3A_10 : vector<1280xf32>
    %rsqrt3A = math.rsqrt %add3A_11 : vector<1280xf32>
    %get3A_12 = arith.constant 0 : index
    %get3A_13 = arith.constant 0 : index
    %get3A_14 = vector.load %arg2[%get3A_12, %get3A_13] : memref<1280x64xf32, #tpu.memory_space<vmem>>, vector<1280x64xf32>
    %broadcast_in_dim3A = vector.shape_cast %rsqrt3A : vector<1280xf32> to vector<1280x1xf32>
    %mul3A = vector.broadcast %broadcast_in_dim3A : vector<1280x1xf32> to vector<1280x64xf32>
    %mul3A_15 = arith.mulf %get3A_14, %mul3A : vector<1280x64xf32>
    %swap3A = arith.constant 0 : index
    %swap3A_16 = arith.constant 0 : index
    %swap3A_17 = vector.load %arg3[%swap3A, %swap3A_16] : memref<1280x64xf32, #tpu.memory_space<vmem>>, vector<1280x64xf32>
    tpu.vector_store %arg3[%swap3A, %swap3A_16], %mul3A_15 {strides = array<i32>} : memref<1280x64xf32, #tpu.memory_space<vmem>>, vector<1280x64xf32>,
    return
  }
  func.func @transform_0(%arg0: i32) -> (i32, i32, i32) {
    %c0_i32 = arith.constant 0 : i32
    %c0_i32_0 = arith.constant 0 : i32
    %c0_i32_1 = arith.constant 0 : i32
    return %c0_i32, %arg0, %c0_i32_0 : i32, i32, i32
  }
  func.func @transform_1(%arg0: i32) -> (i32, i32) {
    %c0_i32 = arith.constant 0 : i32
    %c0_i32_0 = arith.constant 0 : i32
    return %arg0, %c0_i32 : i32, i32
  }
  func.func @transform_2(%arg0: i32) -> (i32, i32) {
    %c0_i32 = arith.constant 0 : i32
    %c0_i32_0 = arith.constant 0 : i32
    return %arg0, %c0_i32 : i32, i32
  }
}

module attributes {stable_mosaic.version = 14 : i64} {
  func.func @_tc2_body(%arg0: i32, %arg1: memref<2x1280x16xf32, #tpu.memory_space<vmem>>, %arg2: memref<2x1280x64xf32, #tpu.memory_space<vmem>>, %arg3: memref<1280x64xf32, #tpu.memory_space<vmem>>, %arg4: memref<64x64xf32, #tpu.memory_space<vmem>>, %arg5: memref<1x64xf32, #tpu.memory_space<vmem>>, %arg6: memref<1280x64xf32, #tpu.memory_space<vmem>>) attributes {dimension_semantics = [#tpu.dimension_semantics<arbitrary>], iteration_bounds = array<i64: 8>, scalar_prefetch = 0 : i64, scratch_operands = 0 : i64, tpu.core_type = #tpu.core_type<tc>, window_params = [{transform_indices = @transform_0, window_bounds = array<i64: 2, 1280, 16>}, {transform_indices = @transform_1, window_bounds = array<i64: 2, 1280, 64>}, {transform_indices = @transform_2, window_bounds = array<i64: 1280, 64>}, {pipeline_mode = #tpu.pipeline_mode<synchronous>, transform_indices = @transform_3, window_bounds = array<i64: 64, 64>}, {pipeline_mode = #tpu.pipeline_mode<synchronous>, transform_indices = @transform_4, window_bounds = array<i64: 1, 64>}, {transform_indices = @transform_5, window_bounds = array<i64: 1280, 64>}]} {
    %get3A = arith.constant 0 : index
    %get3A_0 = arith.constant 0 : index
    %get3A_1 = arith.constant 0 : index
    %get3A_2 = vector.load %arg1[%get3A, %get3A_0, %get3A_1] : memref<2x1280x16xf32, #tpu.memory_space<vmem>>, vector<1x1280x1xf32>
    %get3A_3 = vector.shape_cast %get3A_2 : vector<1x1280x1xf32> to vector<1280xf32>
    %get3A_4 = arith.constant 1 : index
    %get3A_5 = arith.constant 0 : index
    %get3A_6 = arith.constant 0 : index
    %get3A_7 = vector.load %arg1[%get3A_4, %get3A_5, %get3A_6] : memref<2x1280x16xf32, #tpu.memory_space<vmem>>, vector<1x1280x1xf32>
    %get3A_8 = vector.shape_cast %get3A_7 : vector<1x1280x1xf32> to vector<1280xf32>
    %add3A = arith.addf %get3A_3, %get3A_8 : vector<1280xf32>
    %add3A_9 = arith.constant 1.000000e+00 : f32
    %add3A_10 = vector.broadcast %add3A_9 : f32 to vector<1280xf32>
    %add3A_11 = arith.addf %add3A, %add3A_10 : vector<1280xf32>
    %rsqrt3A = math.rsqrt %add3A_11 : vector<1280xf32>
    %get3A_12 = arith.constant 0 : index
    %get3A_13 = arith.constant 0 : index
    %get3A_14 = arith.constant 0 : index
    %get3A_15 = vector.load %arg2[%get3A_12, %get3A_13, %get3A_14] : memref<2x1280x64xf32, #tpu.memory_space<vmem>>, vector<1x1280x64xf32>
    %get3A_16 = vector.shape_cast %get3A_15 : vector<1x1280x64xf32> to vector<1280x64xf32>
    %get3A_17 = arith.constant 1 : index
    %get3A_18 = arith.constant 0 : index
    %get3A_19 = arith.constant 0 : index
    %get3A_20 = vector.load %arg2[%get3A_17, %get3A_18, %get3A_19] : memref<2x1280x64xf32, #tpu.memory_space<vmem>>, vector<1x1280x64xf32>
    %get3A_21 = vector.shape_cast %get3A_20 : vector<1x1280x64xf32> to vector<1280x64xf32>
    %add3A_22 = arith.addf %get3A_16, %get3A_21 : vector<1280x64xf32>
    %get3A_23 = arith.constant 0 : index
    %get3A_24 = arith.constant 0 : index
    %get3A_25 = vector.load %arg3[%get3A_23, %get3A_24] : memref<1280x64xf32, #tpu.memory_space<vmem>>, vector<1280x64xf32>
    %add3A_26 = arith.addf %add3A_22, %get3A_25 : vector<1280x64xf32>
    %broadcast_in_dim3A = vector.shape_cast %rsqrt3A : vector<1280xf32> to vector<1280x1xf32>
    %mul3A = vector.broadcast %broadcast_in_dim3A : vector<1280x1xf32> to vector<1280x64xf32>
    %mul3A_27 = arith.mulf %add3A_26, %mul3A : vector<1280x64xf32>
    %get3A_28 = arith.constant 0 : index
    %get3A_29 = arith.constant 0 : index
    %get3A_30 = vector.load %arg5[%get3A_28, %get3A_29] : memref<1x64xf32, #tpu.memory_space<vmem>>, vector<1x64xf32>
    %add3A_31 = vector.broadcast %get3A_30 : vector<1x64xf32> to vector<1280x64xf32>
    %add3A_32 = arith.addf %mul3A_27, %add3A_31 : vector<1280x64xf32>
    %max3A = arith.constant 0.000000e+00 : f32
    %max3A_33 = vector.broadcast %max3A : f32 to vector<1280x64xf32>
    %max3A_34 = arith.maximumf %add3A_32, %max3A_33 : vector<1280x64xf32>
    %get3A_35 = arith.constant 0 : index
    %get3A_36 = arith.constant 0 : index
    %get3A_37 = vector.load %arg4[%get3A_35, %get3A_36] : memref<64x64xf32, #tpu.memory_space<vmem>>, vector<64x64xf32>
    %dot_general3A = arith.constant dense<0.000000e+00> : vector<1280x64xf32>
    %dot_general3A_38 = tpu.matmul %max3A_34, %get3A_37, %dot_general3A {dimension_numbers = #tpu.dot_dimension_numbers<[1], [0], [0], [1], [0, 0, 1, 1], [], []>, transpose_lhs_hint = false} : vector<1280x64xf32>, vector<64x64xf32>, vector<1280x64xf32> -> vector<1280x64xf32>
    %broadcast_in_dim3A_39 = vector.shape_cast %rsqrt3A : vector<1280xf32> to vector<1280x1xf32>
    %mul3A_40 = vector.broadcast %broadcast_in_dim3A_39 : vector<1280x1xf32> to vector<1280x64xf32>
    %mul3A_41 = arith.mulf %dot_general3A_38, %mul3A_40 : vector<1280x64xf32>
    %swap3A = arith.constant 0 : index
    %swap3A_42 = arith.constant 0 : index
    %swap3A_43 = vector.load %arg6[%swap3A, %swap3A_42] : memref<1280x64xf32, #tpu.memory_space<vmem>>, vector<1280x64xf32>
    tpu.vector_store %arg6[%swap3A, %swap3A_42], %mul3A_41 {strides = array<i32>} : memref<1280x64xf32, #tpu.memory_space<vmem>>, vector<1280x64xf32>,
    return
  }
  func.func @transform_0(%arg0: i32) -> (i32, i32, i32) {
    %c0_i32 = arith.constant 0 : i32
    %c0_i32_0 = arith.constant 0 : i32
    %c0_i32_1 = arith.constant 0 : i32
    return %c0_i32, %arg0, %c0_i32_0 : i32, i32, i32
  }
  func.func @transform_1(%arg0: i32) -> (i32, i32, i32) {
    %c0_i32 = arith.constant 0 : i32
    %c0_i32_0 = arith.constant 0 : i32
    %c0_i32_1 = arith.constant 0 : i32
    return %c0_i32, %arg0, %c0_i32_0 : i32, i32, i32
  }
  func.func @transform_2(%arg0: i32) -> (i32, i32) {
    %c0_i32 = arith.constant 0 : i32
    %c0_i32_0 = arith.constant 0 : i32
    return %arg0, %c0_i32 : i32, i32
  }
  func.func @transform_3(%arg0: i32) -> (i32, i32) {
    %c0_i32 = arith.constant 0 : i32
    %c0_i32_0 = arith.constant 0 : i32
    %c0_i32_1 = arith.constant 0 : i32
    return %c0_i32, %c0_i32_0 : i32, i32
  }
  func.func @transform_4(%arg0: i32) -> (i32, i32) {
    %c0_i32 = arith.constant 0 : i32
    %c0_i32_0 = arith.constant 0 : i32
    %c0_i32_1 = arith.constant 0 : i32
    return %c0_i32, %c0_i32_0 : i32, i32
  }
  func.func @transform_5(%arg0: i32) -> (i32, i32) {
    %c0_i32 = arith.constant 0 : i32
    %c0_i32_0 = arith.constant 0 : i32
    return %arg0, %c0_i32 : i32, i32
  }
}

module attributes {stable_mosaic.version = 14 : i64} {
  func.func @_tc3_body(%arg0: i32, %arg1: memref<2x2000x16xf32, #tpu.memory_space<vmem>>, %arg2: memref<2x2000x64xf32, #tpu.memory_space<vmem>>, %arg3: memref<2000x64xf32, #tpu.memory_space<vmem>>, %arg4: memref<1x64xf32, #tpu.memory_space<vmem>>, %arg5: memref<2000x1xf32, #tpu.memory_space<vmem>>) attributes {dimension_semantics = [#tpu.dimension_semantics<arbitrary>], iteration_bounds = array<i64: 5>, scalar_prefetch = 0 : i64, scratch_operands = 0 : i64, tpu.core_type = #tpu.core_type<tc>, window_params = [{transform_indices = @transform_0, window_bounds = array<i64: 2, 2000, 16>}, {transform_indices = @transform_1, window_bounds = array<i64: 2, 2000, 64>}, {transform_indices = @transform_2, window_bounds = array<i64: 2000, 64>}, {pipeline_mode = #tpu.pipeline_mode<synchronous>, transform_indices = @transform_3, window_bounds = array<i64: 1, 64>}, {transform_indices = @transform_4, window_bounds = array<i64: 2000, 1>}]} {
    %get3A = arith.constant 0 : index
    %get3A_0 = arith.constant 0 : index
    %get3A_1 = arith.constant 0 : index
    %get3A_2 = vector.load %arg1[%get3A, %get3A_0, %get3A_1] : memref<2x2000x16xf32, #tpu.memory_space<vmem>>, vector<1x2000x1xf32>
    %get3A_3 = vector.shape_cast %get3A_2 : vector<1x2000x1xf32> to vector<2000xf32>
    %get3A_4 = arith.constant 1 : index
    %get3A_5 = arith.constant 0 : index
    %get3A_6 = arith.constant 0 : index
    %get3A_7 = vector.load %arg1[%get3A_4, %get3A_5, %get3A_6] : memref<2x2000x16xf32, #tpu.memory_space<vmem>>, vector<1x2000x1xf32>
    %get3A_8 = vector.shape_cast %get3A_7 : vector<1x2000x1xf32> to vector<2000xf32>
    %add3A = arith.addf %get3A_3, %get3A_8 : vector<2000xf32>
    %add3A_9 = arith.constant 1.000000e+00 : f32
    %add3A_10 = vector.broadcast %add3A_9 : f32 to vector<2000xf32>
    %add3A_11 = arith.addf %add3A, %add3A_10 : vector<2000xf32>
    %rsqrt3A = math.rsqrt %add3A_11 : vector<2000xf32>
    %get3A_12 = arith.constant 0 : index
    %get3A_13 = arith.constant 0 : index
    %get3A_14 = arith.constant 0 : index
    %get3A_15 = vector.load %arg2[%get3A_12, %get3A_13, %get3A_14] : memref<2x2000x64xf32, #tpu.memory_space<vmem>>, vector<1x2000x64xf32>
    %get3A_16 = vector.shape_cast %get3A_15 : vector<1x2000x64xf32> to vector<2000x64xf32>
    %get3A_17 = arith.constant 1 : index
    %get3A_18 = arith.constant 0 : index
    %get3A_19 = arith.constant 0 : index
    %get3A_20 = vector.load %arg2[%get3A_17, %get3A_18, %get3A_19] : memref<2x2000x64xf32, #tpu.memory_space<vmem>>, vector<1x2000x64xf32>
    %get3A_21 = vector.shape_cast %get3A_20 : vector<1x2000x64xf32> to vector<2000x64xf32>
    %add3A_22 = arith.addf %get3A_16, %get3A_21 : vector<2000x64xf32>
    %get3A_23 = arith.constant 0 : index
    %get3A_24 = arith.constant 0 : index
    %get3A_25 = vector.load %arg3[%get3A_23, %get3A_24] : memref<2000x64xf32, #tpu.memory_space<vmem>>, vector<2000x64xf32>
    %add3A_26 = arith.addf %add3A_22, %get3A_25 : vector<2000x64xf32>
    %broadcast_in_dim3A = vector.shape_cast %rsqrt3A : vector<2000xf32> to vector<2000x1xf32>
    %mul3A = vector.broadcast %broadcast_in_dim3A : vector<2000x1xf32> to vector<2000x64xf32>
    %mul3A_27 = arith.mulf %add3A_26, %mul3A : vector<2000x64xf32>
    %get3A_28 = arith.constant 0 : index
    %get3A_29 = arith.constant 0 : index
    %get3A_30 = vector.load %arg4[%get3A_28, %get3A_29] : memref<1x64xf32, #tpu.memory_space<vmem>>, vector<1x64xf32>
    %add3A_31 = vector.broadcast %get3A_30 : vector<1x64xf32> to vector<2000x64xf32>
    %add3A_32 = arith.addf %mul3A_27, %add3A_31 : vector<2000x64xf32>
    %max3A = arith.constant 0.000000e+00 : f32
    %max3A_33 = vector.broadcast %max3A : f32 to vector<2000x64xf32>
    %max3A_34 = arith.maximumf %add3A_32, %max3A_33 : vector<2000x64xf32>
    %reduce_sum3A = arith.constant dense<0.000000e+00> : vector<2000xf32>
    %reduce_sum3A_35 = vector.multi_reduction <add>, %max3A_34, %reduce_sum3A [1] : vector<2000x64xf32> to vector<2000xf32>
    %broadcast_in_dim3A_36 = vector.shape_cast %reduce_sum3A_35 : vector<2000xf32> to vector<2000x1xf32>
    %div3A = arith.constant 6.400000e+01 : f32
    %div3A_37 = vector.broadcast %div3A : f32 to vector<2000x1xf32>
    %div3A_38 = arith.divf %broadcast_in_dim3A_36, %div3A_37 : vector<2000x1xf32>
    %swap3A = arith.constant 0 : index
    %swap3A_39 = arith.constant 0 : index
    %swap3A_40 = vector.load %arg5[%swap3A, %swap3A_39] : memref<2000x1xf32, #tpu.memory_space<vmem>>, vector<2000x1xf32>
    tpu.vector_store %arg5[%swap3A, %swap3A_39], %div3A_38 {strides = array<i32>} : memref<2000x1xf32, #tpu.memory_space<vmem>>, vector<2000x1xf32>,
    return
  }
  func.func @transform_0(%arg0: i32) -> (i32, i32, i32) {
    %c0_i32 = arith.constant 0 : i32
    %c0_i32_0 = arith.constant 0 : i32
    %c0_i32_1 = arith.constant 0 : i32
    return %c0_i32, %arg0, %c0_i32_0 : i32, i32, i32
  }
  func.func @transform_1(%arg0: i32) -> (i32, i32, i32) {
    %c0_i32 = arith.constant 0 : i32
    %c0_i32_0 = arith.constant 0 : i32
    %c0_i32_1 = arith.constant 0 : i32
    return %c0_i32, %arg0, %c0_i32_0 : i32, i32, i32
  }
  func.func @transform_2(%arg0: i32) -> (i32, i32) {
    %c0_i32 = arith.constant 0 : i32
    %c0_i32_0 = arith.constant 0 : i32
    return %arg0, %c0_i32 : i32, i32
  }
  func.func @transform_3(%arg0: i32) -> (i32, i32) {
    %c0_i32 = arith.constant 0 : i32
    %c0_i32_0 = arith.constant 0 : i32
    %c0_i32_1 = arith.constant 0 : i32
    return %c0_i32, %c0_i32_0 : i32, i32
  }
  func.func @transform_4(%arg0: i32) -> (i32, i32) {
    %c0_i32 = arith.constant 0 : i32
    %c0_i32_0 = arith.constant 0 : i32
    return %arg0, %c0_i32 : i32, i32
  }
}

</mosaic_0001>

<sc_bundles>
// kernel: kernel.12.cloned.1.call-start
scs
__scs_entry_jumppad:
0x0: {  	(pc) =	sbr.rel $0x88, $3  }
0x1: {  	(tag) =	ssettag $0x0;
	lr =	simm.s32 $0x1  }
0x2: {  	[smem:$0x3F9B] =	sst lr;
	_ =	strace $0xD0000000  }
0x3: {  	_ = 	snop  }
0x4: {  	_ = 	snop  }
0x5: {  	_ = 	snop  }
0x6: {  	_ = 	snop  }
0x7: {  	_ = 	snop  }
__scs_overlays_trampoline_lowered:
0x8: {  	[smem:$0x3FAA] =	sst s0  }
0x9: {  	[smem:$0x3FAB] =	sst s1  }
0xa: {  	[smem:$0x3FAC] =	sst s2  }
0xb: {  	[smem:$0x3FAD] =	sst s3  }
0xc: {  	[smem:$0x3FAE] =	sst s4  }
0xd: {  	[smem:$0x3FAF] =	sst s5  }
0xe: {  	[smem:$0x3FB0] =	sst s6  }
0xf: {  	[smem:$0x3FB1] =	sst s7  }
0x10: {  	[smem:$0x3FB2] =	sst s8  }
0x11: {  	[smem:$0x3FB3] =	sst s9;
	s0 =	simm.s32 @!p0 $0x0  }
0x12: {  	s1 =	sld [smem:$0x3F99];
	s0 =	simm.s32 @p0 $0x1  }
0x13: {  	[smem:$0x3FB4] =	sst s0;
	s0 =	simm.s32 @!p1 $0x0  }
0x14: {  	s2 =	sld [smem:$0x3F98];
	s0 =	simm.s32 @p1 $0x1  }
0x15: {  	[smem:$0x3FB5] =	sst s0;
	s0 =	simm.s32 @!p2 $0x0  }
0x16: {  	s3 =	sld [smem:$0x3FDB];
	s0 =	simm.s32 @p2 $0x1  }
0x17: {  	s4 =	simm.s32 $0x1BF5;
	[smem:$0x3FB7] =	sst s0  }
0x18: {  	s0 =	sld [smem:$0x3F9A];
	_ =	swait.ge [sflag:s4], $0x0  }
0x19: {  	s7 =	sld [smem:$0x3F9B]  }
0x1a: {  	s8 =	sadd.s32 $0xFFFFE003, lr  }
0x1b: {  	s9 =	sadd.s32 $0xFFFFFEF7, lr;
	s5 =	simm.s32 $0xFFFFFFFF;
	p2 =	slt.u32 s8, $0xFFFFF086  }
0x1c: {  	p1 =	slt.u32 s9, $0xF7A;
	s5 =	simm.s32 @!p2 $0x0  }
0x1d: {  	s5 =	simm.s32 @p1 $0x1;
	p0 =	seq.s32 s7, s2  }
0x1e: {  	s7 =	smul.u32 @!p0 $0xF7A, s2;
	p2 =	seq.s32 @!p0 s5, $0x0  }
0x1f: {  	s9 =	smul.u32 $0xF7A, s1;
	s8 =	simm.s32 @!p0 $0x1BF5;
	p2 =	por !p2, p0  }
0x20: {  	[sflag:s8] =	ssyncset.s32 @!p0 $0xFFFFF086;
	s6 =	sadd.s32 @!p0 s3, s7;
	s7 =	simm.s32 @!p0 $0x108  }
0x21: {  	s3 =	sadd.s32 s3, s9;
	s6 =	sadd.s32 @!p0 $0x88, s6;
	s7 =	simm.s32 @p2 $0x1082  }
0x22: {  	[simem:s7], [sflag:s8] =	dma.local @!p0 [hbm:s6], $0xF7A  }
0x23: {  	s9 =	sor.u32 $0xD0000000, s2;
	s6 =	simm.s32 $0x108;
	_ =	swait.ge @!p0 [sflag:s8], $0x0  }
0x24: {  	s3 =	sadd.s32 $0x88, s3;
	s6 =	simm.s32 @!p1 $0x1082;
	[sflag:s4] =	ssyncset.s32 $0xFFFFF086  }
0x25: {  	[simem:s6], [sflag:s4] =	dma.local [hbm:s3], $0xF7A  }
0x26: {  	[smem:$0x3F9B] =	sst s1;
	(tag) =	ssettag s2;
	_ =	strace s9  }
0x27: {  	s1 =	sld [smem:$0x3FAB]  }
0x28: {  	s2 =	sld [smem:$0x3FAC]  }
0x29: {  	s4 =	sld [smem:$0x3FAE]  }
0x2a: {  	p0 =	seq.s32 s5, $0x0;
	s5 =	sld [smem:$0x3FAF]  }
0x2b: {  	s6 =	sld [smem:$0x3FB0]  }
0x2c: {  	s7 =	sld [smem:$0x3FB1]  }
0x2d: {  	s3 =	simm.s32 $0x108;
	s8 =	sld [smem:$0x3FB2]  }
0x2e: {  	s3 =	simm.s32 @!p0 $0x1082;
	s9 =	sld [smem:$0x3FB3]  }
0x2f: {  	lr =	sadd.s32 s0, s3;
	s0 =	sld [smem:$0x3FAA]  }
0x30: {  	s3 =	sld [smem:$0x3FAD]  }
0x31: {  	[smem:$0x3FB6] =	sst s10  }
0x32: {  	s10 =	sld [smem:$0x3FB4];
	_ =	sdelay $0x3  }
0x33: {  	p0 =	seq.s32 s10, $0x1;
	s10 =	sld [smem:$0x3FB6];
	_ =	sdelay $0x3  }
0x34: {  	[smem:$0x3FB6] =	sst s10  }
0x35: {  	s10 =	sld [smem:$0x3FB5];
	_ =	sdelay $0x3  }
0x36: {  	p1 =	seq.s32 s10, $0x1;
	s10 =	sld [smem:$0x3FB6];
	_ =	sdelay $0x3  }
0x37: {  	[smem:$0x3FB6] =	sst s10  }
0x38: {  	s10 =	sld [smem:$0x3FB7]  }
0x39: {  	_ = 	snop;
	(pc) =	sbr.ind lr, $3  }
0x3a: {  	_ = 	snop  }
0x3b: {  	_ = 	snop  }
0x3c: {  	p2 =	seq.s32 s10, $0x1;
	s10 =	sld [smem:$0x3FB6]  }
0x3d: {  	_ =	shalt  }
0x3e: {  	_ =	shalt  }
0x3f: {  	_ =	shalt  }
0x40: {  	_ =	shalt  }
0x41: {  	_ =	shalt  }
0x42: {  	_ =	shalt  }
0x43: {  	_ =	shalt  }
0x44: {  	_ =	shalt  }
0x45: {  	_ =	shalt  }
0x46: {  	_ =	shalt  }
0x47: {  	_ =	shalt  }
0x48: {  	_ =	shalt  }
0x49: {  	_ =	shalt  }
0x4a: {  	_ =	shalt  }
0x4b: {  	_ =	shalt  }
0x4c: {  	_ =	shalt  }
0x4d: {  	_ =	shalt  }
0x4e: {  	_ =	shalt  }
0x4f: {  	_ =	shalt  }
0x50: {  	_ =	shalt  }
0x51: {  	_ =	shalt  }
0x52: {  	_ =	shalt  }
0x53: {  	_ =	shalt  }
0x54: {  	_ =	shalt  }
0x55: {  	_ =	shalt  }
0x56: {  	_ =	shalt  }
0x57: {  	_ =	shalt  }
0x58: {  	_ =	shalt  }
0x59: {  	_ =	shalt  }
0x5a: {  	_ =	shalt  }
0x5b: {  	_ =	shalt  }
0x5c: {  	_ =	shalt  }
0x5d: {  	_ =	shalt  }
0x5e: {  	_ =	shalt  }
0x5f: {  	_ =	shalt  }
0x60: {  	_ =	shalt  }
0x61: {  	_ =	shalt  }
0x62: {  	_ =	shalt  }
0x63: {  	_ =	shalt  }
0x64: {  	_ =	shalt  }
0x65: {  	_ =	shalt  }
0x66: {  	_ =	shalt  }
0x67: {  	_ =	shalt  }
0x68: {  	_ =	shalt  }
0x69: {  	_ =	shalt  }
0x6a: {  	_ =	shalt  }
0x6b: {  	_ =	shalt  }
0x6c: {  	_ =	shalt  }
0x6d: {  	_ =	shalt  }
0x6e: {  	_ =	shalt  }
0x6f: {  	_ =	shalt  }
0x70: {  	_ =	shalt  }
0x71: {  	_ =	shalt  }
0x72: {  	_ =	shalt  }
0x73: {  	_ =	shalt  }
0x74: {  	_ =	shalt  }
0x75: {  	_ =	shalt  }
0x76: {  	_ =	shalt  }
0x77: {  	_ =	shalt  }
0x78: {  	_ =	shalt  }
0x79: {  	_ =	shalt  }
0x7a: {  	_ =	shalt  }
0x7b: {  	_ =	shalt  }
0x7c: {  	_ =	shalt  }
0x7d: {  	_ =	shalt  }
0x7e: {  	_ =	shalt  }
0x7f: {  	_ =	shalt  }
0x80: {  	_ =	shalt  }
0x81: {  	_ =	shalt  }
0x82: {  	_ =	shalt  }
0x83: {  	_ =	shalt  }
0x84: {  	_ =	shalt  }
0x85: {  	_ =	shalt  }
0x86: {  	_ =	shalt  }
0x87: {  	_ =	shalt  }
.Lfunc_end0:
.L_simem_size_0:
called_computation.1_lowered:
.L_overlay_start_0:
0x88: {  	s2 =	sld [smem:$0x3FD9]  }
0x89: {  	s3 =	sld [smem:$0x3FFE];
	_ =	sdelay $0x1  }
0x8a: {  	s1 =	srdreg.scid  }
0x8b: {  	s0 =	sand.u32 $0x1, s1  }
0x8c: {  	s16 =	sshll.u32 s0, $0xA;
	s2 =	sadd.s32 s3, s2  }
0x8d: {  	s2 =	sadd.s32 s2, s16  }
0x8e: {  	[smem:$0x3FC2] =	sst s2  }
0x8f: {  	_ = 	snop  }
0x90: {  	(tm) =	ssettm $0x1  }
0x91: {  	s17 =	sld [smem:$0x3FFB];
	_ =	sdelay $0x3  }
0x92: {  	_ =	strace s17  }
0x93: {  	s2 =	sld [smem:$0x3FFC];
	_ =	sdelay $0x3  }
0x94: {  	_ =	strace s2  }
0x95: {  	s2 =	sld [smem:$0x3FFD];
	_ =	sdelay $0x3  }
0x96: {  	_ =	strace s2  }
0x97: {  	_ =	strace $0x8FFFFFFF  }
0x98: {  	s18 =	sld [smem:$0x3FDB];
	_ =	sdelay $0x1  }
0x99: {  	s19 =	simm.s32 $_scs_section_size  }
0x9a: {  	s4 =	simm.s32 $_size__tile_overlayer_lowered;
	s5 =	simm.s32 $_tile_overlayer_lowered  }
0x9b: {  	s22 =	simm.s32 $0x1BFF;
	s21 =	sshll.u32 s5, $0x1;
	s2 =	sadd.s32 s19, s18  }
0x9c: {  	s6 =	simm.s32 $0x0;
	s20 =	sshll.u32 s4, $0x1;
	s4 =	sadd.s32 s21, s2  }
0x9d: {  	[timem:s6], [sflag:s22] =	dma.local [hbm:s4], s20  }
0x9e: {  	_ =	swait.ge [sflag:s22], s20  }
0x9f: {  	s3 =	ssub.s32 $0x0, s20;
	[sflag:s22] =	ssyncset.done $0x0  }
0xa0: {  	[sflag:s22] =	ssyncadd.s32 s3;
	_ =	sdelay $0x1  }
0xa1: {  	s23 =	simm.s32 $0x1B8B  }
0xa2: {  	_ =	swait.ge [sflag:s23], $0x1  }
0xa3: {  	[sflag:s23] =	ssyncset.done $0x0  }
0xa4: {  	s25 =	simm.s32 $0x1B8E;
	s24 =	sld [smem:$0x3FFE];
	[sflag:s23] =	ssyncadd.s32 $0xFFFFFFFF  }
0xa5: {  	s26 =	simm.s32 $execute0_lowered;
	[smem:$0x3FD2] =	sst s25  }
0xa6: {  	s4 =	sshll.u32 s26, $0x1;
	_ =	strace $0x80000049;
	[dreg:$0x1] =	wrdreg $0xFFFFFFFF  }
0xa7: {  	s28 =	simm.s32 $_size_execute0_lowered;
	s2 =	sadd.s32 s2, s4;
	[dreg:$0x0] =	wrdreg $0x0  }
0xa8: {  	s4 =	sshll.u32 s28, $0x1;
	[dreg:$0x2] =	wrdreg s2  }
0xa9: {  	[dreg:$0x3] =	wrdreg s4  }
0xaa: {  	[dreg:$0x4] =	wrdreg $0xC0  }
0xab: {  	_ =	task [dreg:s6], $0x5FFFF  }
0xac: {  	[dreg:$0x1] =	wrdreg $0xFFFFFFFF  }
0xad: {  	[dreg:$0x0] =	wrdreg $0x60  }
0xae: {  	[dreg:$0x2] =	wrdreg s24  }
0xaf: {  	[dreg:$0x3] =	wrdreg $0x76200  }
0xb0: {  	[dreg:$0x4] =	wrdreg $0x116200  }
0xb1: {  	[dreg:$0x5] =	wrdreg $0x9  }
0xb2: {  	_ =	task.clear_ibuf [dreg:s6], $0x6FFFF;
	_ =	strace $0x90000049  }
0xb3: {  	s29 =	simm.s32 $0x9;
	_ =	strace $0x8000004B  }
0xb4: {  	_ =	swait.ge [sflag:s29], $0x1  }
0xb5: {  	[sflag:s29] =	ssyncadd.s32 $0xFFFFFFFF  }
0xb6: {  	_ =	strace $0x9000004B  }
0xb7: {  	_ =	sfence  }
0xb8: {  	s30 =	sld [smem:$0x0];
	_ =	sdelay $0x2  }
0xb9: {  	s31 =	sshll.u32 s1, $0xD;
	s1 =	sshrl.u32 s1, $0x2  }
0xba: {  	s3 =	sand.u32 $0x4000, s31;
	s1 =	sadd.s32 s1, s30  }
0xbb: {  	s0 =	sor.u32 s3, s0;
	s1 =	sshll.u32 s1, $0x11  }
0xbc: {  	s0 =	sor.u32 s1, s0  }
0xbd: {  	s0 =	sadd.s32 $0x8F2B, s0  }
0xbe: {  	[sflag:s0] =	ssyncadd.remote.s32 $0x1  }
0xbf: {  	_ =	sfence.sel $0xFFFF  }
0xc0: {  	[dreg:$0x0] =	wrdreg $0xFFFFFFFF;
	(pc) =	sbr.abs _section_cstart, $3  }
0xc1: {  	[dreg:$0x1] =	wrdreg $0xFFFFFFFF  }
0xc2: {  	_ =	task.clear_ibuf [dreg:s6], $0x2FFFF;
	_ =	strace $0x9FFFFFFF  }
0xc3: {  	(tm) =	ssettm $0x7FFFFFFF  }
tec
execute0_lowered:
.L_overlay_start_1:
0x0: {  	(tag) =	ssettag $0x1  }
0x1: {  	s6 =	rddreg [dreg:$0x0]  }
0x2: {  	s1 =	rddreg [dreg:$0x1]  }
0x3: {  	s3 =	rddreg [dreg:$0x2]  }
0x4: {  	s0 =	rddreg [dreg:$0x3];
	s4 =	simm.s32 $0x0  }
0x5: {  	s2 =	stileid.u32;
	s5 =	srdreg.scid;
	s18 =	simm.s32 $0x3  }
0x6: {  	s19 =	simm.s32 $0x4;
	s20 =	simm.s32 $0x50;
	s21 =	simm.s32 $0x4E20  }
0x7: {  	s22 =	simm.s32 $0x6220;
	s23 =	simm.s32 $0x4DD0;
	s24 =	simm.s32 $0x5  }
0x8: {  	s25 =	simm.s32 $0x0;
	[smem:$0x7FF] =	sst s4;
	s9 =	smul.u32 $0xA000, s2  }
0x9: {  	s7 =	sand.u32 $0x1, s5;
	s10 =	sshll.u32 s2, $0x1;
	s12 =	sadd.s32 $0x1800, s6  }
0xa: {  	s5 =	sadd.s32 $0x29200, s6;
	s14 =	smul.u32 $0x4E20, s2;
	_ =	strace $0x8000004A  }
0xb: {  	s8 =	smul.u32 $0xA0000, s7;
	s10 =	sor.u32 s7, s10;
	s13 =	ssub.s32 $0x2, s7  }
0xc: {  	s16 =	smul.u32 $0x2710, s7;
	s7 =	sshll.u32 s2, $0x6;
	s28 =	sshrl.u32 s9, $0x3  }
0xd: {  	s10 =	smul.u32 $0x2710, s10;
	s15 =	sshrl.u32 s13, $0x1;
	s29 =	sadd.s32 s9, s1  }
0xe: {  	s31 =	sadd.s32 s9, s3;
	s11 =	sadd.s32 s28, s6;
	s8 =	sadd.s32 s9, s8  }
0xf: {  	s13 =	ssub.s32 s13, s15;
	s30 =	sadd.s32 s16, s14;
	s15 =	sshrl.u32 s31, $0x3  }
0x10: {  	s16 =	simm.s32 $0x2;
	s8 =	sshrl.u32 s8, $0x3;
	s10 =	sshrl.u32 s10, $0x3  }
0x11: {  	s14 =	sadd.s32 $0x4E200, s30;
	s9 =	sadd.s32 $0x15200, s11;
	s11 =	smax.u32 s13, $0x1  }
0x12: {  	s13 =	sshrl.u32 s29, $0x3;
	s17 =	sadd.s32 s8, s6;
	s6 =	sadd.s32 s12, s10  }
0x13: {  	s8 =	sor.u32 $0x1C03, s7;
	s14 =	sshrl.u32 s14, $0x3;
	s10 =	sadd.s32 $0x2A600, s17  }
0x14: {  	s12 =	sadd.s32 s14, s12;
	s14 =	sor.u32 $0x1C04, s7;
	s17 =	simm.s32 $0x1  }
.LBB2_1:
0x15: {  	[tilespmem:s4], [sflag:$0x1] =	stream.linear.gather [hbm4b:s6+s4], $0x2710, $0x38;
	[tilespmem:$0x1B620] =	vst v63  }
0x16: {  	s26 =	simm.s32 $0x2710;
	s28 =	simm.s32 $0x0  }
0x17: {  	[spmem:s13], [sflag:s8] =	dma.local [hbm:s5], $0x1400  }
0x18: {  	[spmem:s15], [sflag:s14] =	dma.local [hbm:s9], $0x1400  }
.LBB2_2:
0x19: {  	p0 =	sne.s32 s28, $0x4D8  }
.Ltmp0:
0x1a: {  	_ = 	snop;
	(pc) =	sbr.rel @p0 .LBB2_2-.Ltmp0, $4  }
0x1b: {  	_ = 	snop  }
0x1c: {  	s29 =	sadd.s32 s28, s12  }
0x1d: {  	[tilespmem:s26], [sflag:$0x2] =	stream.linear.gather [hbm4b:s29+s4], $0x50, $0x38;
	[tilespmem:$0x1B620] =	vst v63  }
0x1e: {  	s28 =	sadd.s32 $0xA, s28;
	s26 =	sadd.s32 $0x50, s26  }
0x1f: {  	_ =	swait.ge [sflag:s16], $0x50  }
0x20: {  	s26 =	simm.s32 $0x7C;
	[sflag:s16] =	ssyncset.done $0x0  }
.LBB2_4:
0x21: {  	p0 =	sne.s32 s26, $0x1;
	s26 =	sadd.s32 $0xFFFFFFFF, s26;
	[sflag:s16] =	ssyncadd.s32 $0xFFFFFFB0  }
.Ltmp1:
0x22: {  	(pc) =	sbr.rel @p0 .LBB2_4-.Ltmp1, $3  }
0x23: {  	_ =	sdelay $0x1  }
0x24: {  	_ =	swait.ge [sflag:s16], $0x50  }
0x25: {  	[sflag:s16] =	ssyncset.done $0x0  }
0x26: {  	[sflag:s16] =	ssyncadd.s32 $0xFFFFFFB0  }
0x27: {  	_ =	swait.ge [sflag:s17], $0x2710  }
0x28: {  	[sflag:s17] =	ssyncset.done $0x0  }
0x29: {  	[sflag:s17] =	ssyncadd.s32 $0xFFFFD8F0  }
0x2a: {  	_ =	swait.ge [sflag:s18], $0x1400  }
0x2b: {  	[sflag:s18] =	ssyncset.done $0x0  }
0x2c: {  	[sflag:s18] =	ssyncadd.s32 $0xFFFFEC00  }
0x2d: {  	_ =	swait.ge [sflag:s19], $0x1400  }
0x2e: {  	[sflag:s19] =	ssyncset.done $0x0  }
0x2f: {  	[sflag:s19] =	ssyncadd.s32 $0xFFFFEC00  }
0x30: {  	s26 =	simm.s32 $0x0;
	[bflag:$0x0] =	sbarrier.arrive $0xFFFF  }
0x31: {  	[tilespmem:s21], [sflag:$0x1] =	stream.indirect.gather [spmem:s3], $0x40, s26, s20, $0xb8;
	[tilespmem:$0x1B620] =	vst v63  }
0x32: {  	_ =	swait.ge [sflag:s17], $0x1400  }
0x33: {  	[sflag:s17] =	ssyncset.done $0x0  }
0x34: {  	s28 =	simm.s32 $0x50;
	[sflag:s17] =	ssyncadd.s32 $0xFFFFEC00  }
0x35: {  	[tilespmem:s22], [sflag:$0x2] =	stream.indirect.gather [spmem:s3], $0x40, s28, s20, $0xb8;
	[tilespmem:$0x1B620] =	vst v63  }
0x36: {  	s29 =	simm.s32 $0x2710  }
0x37: {  	[spmem:s1] =	stream.indirect.scatter.add.f32 [tilespmem:s21], [sflag:$0x3], $0x40, s29, s20, $0xb8;
	[tilespmem:$0x1B620] =	vst v63  }
0x38: {  	_ =	swait.ge [sflag:s16], $0x1400  }
0x39: {  	[sflag:s16] =	ssyncset.done $0x0  }
0x3a: {  	s30 =	simm.s32 $0x2760;
	[sflag:s16] =	ssyncadd.s32 $0xFFFFEC00  }
0x3b: {  	[spmem:s1] =	stream.indirect.scatter.add.f32 [tilespmem:s22], [sflag:$0x4], $0x40, s30, s20, $0xb8;
	[tilespmem:$0x1B620] =	vst v63  }
0x3c: {  	_ =	swait.ge [sflag:s18], $0x1400  }
0x3d: {  	[sflag:s18] =	ssyncset.done $0x0  }
0x3e: {  	s31 =	simm.s32 $0xA0;
	[sflag:s18] =	ssyncadd.s32 $0xFFFFEC00  }
0x3f: {  	[tilespmem:s21], [sflag:$0x1] =	stream.indirect.gather [spmem:s3], $0x40, s31, s20, $0xb8;
	[tilespmem:$0x1B620] =	vst v63  }
0x40: {  	_ =	swait.ge [sflag:s19], $0x1400  }
0x41: {  	s26 =	simm.s32 $0x280;
	[sflag:s19] =	ssyncset.done $0x0  }
.LBB2_6:
0x42: {  	p0 =	sne.s32 s26, $0x9880  }
0x43: {  	[sflag:s19] =	ssyncadd.s32 $0xFFFFEC00;
	s28 =	smov.u32 s26;
	s26 =	sadd.s32 $0x280, s26  }
0x44: {  	_ =	swait.ge [sflag:s17], $0x1400  }
0x45: {  	s28 =	sshra.s32 s28, $0x2;
	[sflag:s17] =	ssyncset.done $0x0  }
0x46: {  	s29 =	sadd.s32 $0x50, s28;
	[sflag:s17] =	ssyncadd.s32 $0xFFFFEC00  }
0x47: {  	[tilespmem:s22], [sflag:$0x2] =	stream.indirect.gather [spmem:s3], $0x40, s29, s20, $0xb8;
	[tilespmem:$0x1B620] =	vst v63  }
0x48: {  	s29 =	sadd.s32 $0x2710, s28  }
0x49: {  	[spmem:s1] =	stream.indirect.scatter.add.f32 [tilespmem:s21], [sflag:$0x3], $0x40, s29, s20, $0xb8;
	[tilespmem:$0x1B620] =	vst v63  }
0x4a: {  	_ =	swait.ge [sflag:s16], $0x1400  }
0x4b: {  	[sflag:s16] =	ssyncset.done $0x0  }
0x4c: {  	s29 =	sadd.s32 $0x2760, s28;
	[sflag:s16] =	ssyncadd.s32 $0xFFFFEC00  }
0x4d: {  	[spmem:s1] =	stream.indirect.scatter.add.f32 [tilespmem:s22], [sflag:$0x4], $0x40, s29, s20, $0xb8;
	[tilespmem:$0x1B620] =	vst v63  }
0x4e: {  	_ =	swait.ge [sflag:s18], $0x1400  }
.Ltmp2:
0x4f: {  	[sflag:s18] =	ssyncset.done $0x0;
	(pc) =	sbr.rel @p0 .LBB2_6-.Ltmp2, $4  }
0x50: {  	s28 =	sadd.s32 $0xA0, s28;
	[sflag:s18] =	ssyncadd.s32 $0xFFFFEC00  }
0x51: {  	[tilespmem:s21], [sflag:$0x1] =	stream.indirect.gather [spmem:s3], $0x40, s28, s20, $0xb8;
	[tilespmem:$0x1B620] =	vst v63  }
0x52: {  	_ =	swait.ge [sflag:s19], $0x1400  }
0x53: {  	[sflag:s19] =	ssyncset.done $0x0  }
0x54: {  	[sflag:s19] =	ssyncadd.s32 $0xFFFFEC00  }
0x55: {  	_ =	swait.ge [sflag:s17], $0x1400  }
0x56: {  	[sflag:s17] =	ssyncset.done $0x0  }
0x57: {  	[sflag:s17] =	ssyncadd.s32 $0xFFFFEC00  }
0x58: {  	[spmem:s1] =	stream.indirect.scatter.add.f32 [tilespmem:s21], [sflag:$0x3], $0x40, s23, s20, $0xb8;
	[tilespmem:$0x1B620] =	vst v63  }
0x59: {  	_ =	swait.ge [sflag:s18], $0x1400  }
0x5a: {  	s25 =	sadd.s32 $0x1, s25;
	[sflag:s18] =	ssyncset.done $0x0  }
0x5b: {  	p0 =	sne.s32 s25, s11;
	[sflag:s18] =	ssyncadd.s32 $0xFFFFEC00  }
.Ltmp3:
0x5c: {  	s26 =	sor.u32 $0x1C05, s7;
	[bflag:$0x0] =	sbarrier.arrive $0xFFFF;
	(pc) =	sbr.rel @p0 .LBB2_1-.Ltmp3, $4  }
0x5d: {  	[hbm:s10], [sflag:s26] =	dma.local [spmem:s13], $0x1400  }
0x5e: {  	_ =	swait.ge [sflag:s24], $0x1400  }
0x5f: {  	[sflag:s24] =	ssyncset.done $0x0  }
0x60: {  	[sflag:s24] =	ssyncadd.s32 $0xFFFFEC00  }
0x61: {  	_ =	sfence.sel $0x180000  }
0x62: {  	[bflag:$0x0] =	sbarrier.arrive $0xFFFF  }
0x63: {  	p0 =	sne.s32 s2, $0x0;
	_ =	strace $0x9000004A  }
0x64: {  	s0 =	sadd.s32 @!p0 $0x100000, s0;
	[bflag:$0x2] =	sbarrier.arrive $0xFFFF  }
0x65: {  	[sflag:s0] =	ssyncadd.tile.s32 @!p0 $0x1;
	_ =	shalt  }
.Lfunc_end2:
_tile_overlayer_lowered:
.L_overlay_start_2:
0x66: {  	(tag) =	ssettag $0x2  }
0x67: {  	s0 =	rddreg [dreg:$0x0];
	s2 =	stileid.u32  }
0x68: {  	s1 =	rddreg [dreg:$0x1];
	p0 =	sne.s32 s2, $0x0  }
0x69: {  	s3 =	rddreg [dreg:$0x2];
	[bflag:$0x3] =	sbarrier.arrive $0xFFFF;
	s2 =	simm.s32 @!p0 $0x1C05  }
0x6a: {  	[timem:s3], [sflag:s2] =	dma.local @!p0 [hbm:s0], s1  }
0x6b: {  	s0 =	simm.s32 @!p0 $0x5  }
0x6c: {  	_ =	swait.ge @!p0 [sflag:s0], s1  }
0x6d: {  	s1 =	ssub.s32 @!p0 $0x0, s1;
	[sflag:s0] =	ssyncset.done @!p0 $0x0  }
0x6e: {  	[sflag:s0] =	ssyncadd.s32 @!p0 s1  }
0x6f: {  	[bflag:$0x3] =	sbarrier.arrive $0xFFFF  }
0x70: {  	_ =	shalt  }

// kernel: kernel.15.cloned.1.call-start
scs
__scs_entry_jumppad:
0x0: {  	(pc) =	sbr.rel $0x88, $3  }
0x1: {  	(tag) =	ssettag $0x0;
	lr =	simm.s32 $0x1  }
0x2: {  	[smem:$0x3F9B] =	sst lr;
	_ =	strace $0xD0000000  }
0x3: {  	_ = 	snop  }
0x4: {  	_ = 	snop  }
0x5: {  	_ = 	snop  }
0x6: {  	_ = 	snop  }
0x7: {  	_ = 	snop  }
__scs_overlays_trampoline_lowered:
0x8: {  	[smem:$0x3FAA] =	sst s0  }
0x9: {  	[smem:$0x3FAB] =	sst s1  }
0xa: {  	[smem:$0x3FAC] =	sst s2  }
0xb: {  	[smem:$0x3FAD] =	sst s3  }
0xc: {  	[smem:$0x3FAE] =	sst s4  }
0xd: {  	[smem:$0x3FAF] =	sst s5  }
0xe: {  	[smem:$0x3FB0] =	sst s6  }
0xf: {  	[smem:$0x3FB1] =	sst s7  }
0x10: {  	[smem:$0x3FB2] =	sst s8  }
0x11: {  	[smem:$0x3FB3] =	sst s9;
	s0 =	simm.s32 @!p0 $0x0  }
0x12: {  	s1 =	sld [smem:$0x3F99];
	s0 =	simm.s32 @p0 $0x1  }
0x13: {  	[smem:$0x3FB4] =	sst s0;
	s0 =	simm.s32 @!p1 $0x0  }
0x14: {  	s2 =	sld [smem:$0x3F98];
	s0 =	simm.s32 @p1 $0x1  }
0x15: {  	[smem:$0x3FB5] =	sst s0;
	s0 =	simm.s32 @!p2 $0x0  }
0x16: {  	s3 =	sld [smem:$0x3FDB];
	s0 =	simm.s32 @p2 $0x1  }
0x17: {  	s4 =	simm.s32 $0x1BF5;
	[smem:$0x3FB7] =	sst s0  }
0x18: {  	s0 =	sld [smem:$0x3F9A];
	_ =	swait.ge [sflag:s4], $0x0  }
0x19: {  	s7 =	sld [smem:$0x3F9B]  }
0x1a: {  	s8 =	sadd.s32 $0xFFFFE003, lr  }
0x1b: {  	s9 =	sadd.s32 $0xFFFFFEF7, lr;
	s5 =	simm.s32 $0xFFFFFFFF;
	p2 =	slt.u32 s8, $0xFFFFF086  }
0x1c: {  	p1 =	slt.u32 s9, $0xF7A;
	s5 =	simm.s32 @!p2 $0x0  }
0x1d: {  	s5 =	simm.s32 @p1 $0x1;
	p0 =	seq.s32 s7, s2  }
0x1e: {  	s7 =	smul.u32 @!p0 $0xF7A, s2;
	p2 =	seq.s32 @!p0 s5, $0x0  }
0x1f: {  	s9 =	smul.u32 $0xF7A, s1;
	s8 =	simm.s32 @!p0 $0x1BF5;
	p2 =	por !p2, p0  }
0x20: {  	[sflag:s8] =	ssyncset.s32 @!p0 $0xFFFFF086;
	s6 =	sadd.s32 @!p0 s3, s7;
	s7 =	simm.s32 @!p0 $0x108  }
0x21: {  	s3 =	sadd.s32 s3, s9;
	s6 =	sadd.s32 @!p0 $0x88, s6;
	s7 =	simm.s32 @p2 $0x1082  }
0x22: {  	[simem:s7], [sflag:s8] =	dma.local @!p0 [hbm:s6], $0xF7A  }
0x23: {  	s9 =	sor.u32 $0xD0000000, s2;
	s6 =	simm.s32 $0x108;
	_ =	swait.ge @!p0 [sflag:s8], $0x0  }
0x24: {  	s3 =	sadd.s32 $0x88, s3;
	s6 =	simm.s32 @!p1 $0x1082;
	[sflag:s4] =	ssyncset.s32 $0xFFFFF086  }
0x25: {  	[simem:s6], [sflag:s4] =	dma.local [hbm:s3], $0xF7A  }
0x26: {  	[smem:$0x3F9B] =	sst s1;
	(tag) =	ssettag s2;
	_ =	strace s9  }
0x27: {  	s1 =	sld [smem:$0x3FAB]  }
0x28: {  	s2 =	sld [smem:$0x3FAC]  }
0x29: {  	s4 =	sld [smem:$0x3FAE]  }
0x2a: {  	p0 =	seq.s32 s5, $0x0;
	s5 =	sld [smem:$0x3FAF]  }
0x2b: {  	s6 =	sld [smem:$0x3FB0]  }
0x2c: {  	s7 =	sld [smem:$0x3FB1]  }
0x2d: {  	s3 =	simm.s32 $0x108;
	s8 =	sld [smem:$0x3FB2]  }
0x2e: {  	s3 =	simm.s32 @!p0 $0x1082;
	s9 =	sld [smem:$0x3FB3]  }
0x2f: {  	lr =	sadd.s32 s0, s3;
	s0 =	sld [smem:$0x3FAA]  }
0x30: {  	s3 =	sld [smem:$0x3FAD]  }
0x31: {  	[smem:$0x3FB6] =	sst s10  }
0x32: {  	s10 =	sld [smem:$0x3FB4];
	_ =	sdelay $0x3  }
0x33: {  	p0 =	seq.s32 s10, $0x1;
	s10 =	sld [smem:$0x3FB6];
	_ =	sdelay $0x3  }
0x34: {  	[smem:$0x3FB6] =	sst s10  }
0x35: {  	s10 =	sld [smem:$0x3FB5];
	_ =	sdelay $0x3  }
0x36: {  	p1 =	seq.s32 s10, $0x1;
	s10 =	sld [smem:$0x3FB6];
	_ =	sdelay $0x3  }
0x37: {  	[smem:$0x3FB6] =	sst s10  }
0x38: {  	s10 =	sld [smem:$0x3FB7]  }
0x39: {  	_ = 	snop;
	(pc) =	sbr.ind lr, $3  }
0x3a: {  	_ = 	snop  }
0x3b: {  	_ = 	snop  }
0x3c: {  	p2 =	seq.s32 s10, $0x1;
	s10 =	sld [smem:$0x3FB6]  }
0x3d: {  	_ =	shalt  }
0x3e: {  	_ =	shalt  }
0x3f: {  	_ =	shalt  }
0x40: {  	_ =	shalt  }
0x41: {  	_ =	shalt  }
0x42: {  	_ =	shalt  }
0x43: {  	_ =	shalt  }
0x44: {  	_ =	shalt  }
0x45: {  	_ =	shalt  }
0x46: {  	_ =	shalt  }
0x47: {  	_ =	shalt  }
0x48: {  	_ =	shalt  }
0x49: {  	_ =	shalt  }
0x4a: {  	_ =	shalt  }
0x4b: {  	_ =	shalt  }
0x4c: {  	_ =	shalt  }
0x4d: {  	_ =	shalt  }
0x4e: {  	_ =	shalt  }
0x4f: {  	_ =	shalt  }
0x50: {  	_ =	shalt  }
0x51: {  	_ =	shalt  }
0x52: {  	_ =	shalt  }
0x53: {  	_ =	shalt  }
0x54: {  	_ =	shalt  }
0x55: {  	_ =	shalt  }
0x56: {  	_ =	shalt  }
0x57: {  	_ =	shalt  }
0x58: {  	_ =	shalt  }
0x59: {  	_ =	shalt  }
0x5a: {  	_ =	shalt  }
0x5b: {  	_ =	shalt  }
0x5c: {  	_ =	shalt  }
0x5d: {  	_ =	shalt  }
0x5e: {  	_ =	shalt  }
0x5f: {  	_ =	shalt  }
0x60: {  	_ =	shalt  }
0x61: {  	_ =	shalt  }
0x62: {  	_ =	shalt  }
0x63: {  	_ =	shalt  }
0x64: {  	_ =	shalt  }
0x65: {  	_ =	shalt  }
0x66: {  	_ =	shalt  }
0x67: {  	_ =	shalt  }
0x68: {  	_ =	shalt  }
0x69: {  	_ =	shalt  }
0x6a: {  	_ =	shalt  }
0x6b: {  	_ =	shalt  }
0x6c: {  	_ =	shalt  }
0x6d: {  	_ =	shalt  }
0x6e: {  	_ =	shalt  }
0x6f: {  	_ =	shalt  }
0x70: {  	_ =	shalt  }
0x71: {  	_ =	shalt  }
0x72: {  	_ =	shalt  }
0x73: {  	_ =	shalt  }
0x74: {  	_ =	shalt  }
0x75: {  	_ =	shalt  }
0x76: {  	_ =	shalt  }
0x77: {  	_ =	shalt  }
0x78: {  	_ =	shalt  }
0x79: {  	_ =	shalt  }
0x7a: {  	_ =	shalt  }
0x7b: {  	_ =	shalt  }
0x7c: {  	_ =	shalt  }
0x7d: {  	_ =	shalt  }
0x7e: {  	_ =	shalt  }
0x7f: {  	_ =	shalt  }
0x80: {  	_ =	shalt  }
0x81: {  	_ =	shalt  }
0x82: {  	_ =	shalt  }
0x83: {  	_ =	shalt  }
0x84: {  	_ =	shalt  }
0x85: {  	_ =	shalt  }
0x86: {  	_ =	shalt  }
0x87: {  	_ =	shalt  }
.Lfunc_end0:
.L_simem_size_0:
called_computation.2_lowered:
.L_overlay_start_0:
0x88: {  	s2 =	sld [smem:$0x3FD9]  }
0x89: {  	s3 =	sld [smem:$0x3FFE];
	_ =	sdelay $0x1  }
0x8a: {  	s1 =	srdreg.scid  }
0x8b: {  	s0 =	sand.u32 $0x1, s1  }
0x8c: {  	s16 =	sshll.u32 s0, $0xA;
	s2 =	sadd.s32 s3, s2  }
0x8d: {  	s2 =	sadd.s32 s2, s16  }
0x8e: {  	[smem:$0x3FC2] =	sst s2  }
0x8f: {  	_ = 	snop  }
0x90: {  	(tm) =	ssettm $0x1  }
0x91: {  	s17 =	sld [smem:$0x3FFB];
	_ =	sdelay $0x3  }
0x92: {  	_ =	strace s17  }
0x93: {  	s2 =	sld [smem:$0x3FFC];
	_ =	sdelay $0x3  }
0x94: {  	_ =	strace s2  }
0x95: {  	s2 =	sld [smem:$0x3FFD];
	_ =	sdelay $0x3  }
0x96: {  	_ =	strace s2  }
0x97: {  	_ =	strace $0x8FFFFFFF  }
0x98: {  	s18 =	sld [smem:$0x3FDB];
	_ =	sdelay $0x1  }
0x99: {  	s19 =	simm.s32 $_scs_section_size  }
0x9a: {  	s4 =	simm.s32 $_size__tile_overlayer_lowered;
	s5 =	simm.s32 $_tile_overlayer_lowered  }
0x9b: {  	s22 =	simm.s32 $0x1BFF;
	s21 =	sshll.u32 s5, $0x1;
	s2 =	sadd.s32 s19, s18  }
0x9c: {  	s6 =	simm.s32 $0x0;
	s20 =	sshll.u32 s4, $0x1;
	s4 =	sadd.s32 s21, s2  }
0x9d: {  	[timem:s6], [sflag:s22] =	dma.local [hbm:s4], s20  }
0x9e: {  	_ =	swait.ge [sflag:s22], s20  }
0x9f: {  	s3 =	ssub.s32 $0x0, s20;
	[sflag:s22] =	ssyncset.done $0x0  }
0xa0: {  	[sflag:s22] =	ssyncadd.s32 s3;
	_ =	sdelay $0x1  }
0xa1: {  	s23 =	simm.s32 $0x1B8B  }
0xa2: {  	_ =	swait.ge [sflag:s23], $0x1  }
0xa3: {  	[sflag:s23] =	ssyncset.done $0x0  }
0xa4: {  	s25 =	simm.s32 $0x1B8E;
	s24 =	sld [smem:$0x3FFE];
	[sflag:s23] =	ssyncadd.s32 $0xFFFFFFFF  }
0xa5: {  	s26 =	simm.s32 $execute0_lowered;
	[smem:$0x3FD2] =	sst s25  }
0xa6: {  	s4 =	sshll.u32 s26, $0x1;
	_ =	strace $0x8000004C;
	[dreg:$0x1] =	wrdreg $0xFFFFFFFF  }
0xa7: {  	s28 =	simm.s32 $_size_execute0_lowered;
	s2 =	sadd.s32 s2, s4;
	[dreg:$0x0] =	wrdreg $0x0  }
0xa8: {  	s4 =	sshll.u32 s28, $0x1;
	[dreg:$0x2] =	wrdreg s2  }
0xa9: {  	[dreg:$0x3] =	wrdreg s4  }
0xaa: {  	[dreg:$0x4] =	wrdreg $0xC0  }
0xab: {  	_ =	task [dreg:s6], $0x5FFFF  }
0xac: {  	[dreg:$0x1] =	wrdreg $0xFFFFFFFF  }
0xad: {  	[dreg:$0x0] =	wrdreg $0x60  }
0xae: {  	[dreg:$0x2] =	wrdreg s24  }
0xaf: {  	[dreg:$0x3] =	wrdreg $0x76200  }
0xb0: {  	[dreg:$0x4] =	wrdreg $0x116200  }
0xb1: {  	[dreg:$0x5] =	wrdreg $0x9  }
0xb2: {  	_ =	task.clear_ibuf [dreg:s6], $0x6FFFF;
	_ =	strace $0x9000004C  }
0xb3: {  	s29 =	simm.s32 $0x9;
	_ =	strace $0x8000004E  }
0xb4: {  	_ =	swait.ge [sflag:s29], $0x1  }
0xb5: {  	[sflag:s29] =	ssyncadd.s32 $0xFFFFFFFF  }
0xb6: {  	_ =	strace $0x9000004E  }
0xb7: {  	_ =	sfence  }
0xb8: {  	s30 =	sld [smem:$0x0];
	_ =	sdelay $0x2  }
0xb9: {  	s31 =	sshll.u32 s1, $0xD;
	s1 =	sshrl.u32 s1, $0x2  }
0xba: {  	s3 =	sand.u32 $0x4000, s31;
	s1 =	sadd.s32 s1, s30  }
0xbb: {  	s0 =	sor.u32 s3, s0;
	s1 =	sshll.u32 s1, $0x11  }
0xbc: {  	s0 =	sor.u32 s1, s0  }
0xbd: {  	s0 =	sadd.s32 $0x8F2B, s0  }
0xbe: {  	[sflag:s0] =	ssyncadd.remote.s32 $0x1  }
0xbf: {  	_ =	sfence.sel $0xFFFF  }
0xc0: {  	[dreg:$0x0] =	wrdreg $0xFFFFFFFF;
	(pc) =	sbr.abs _section_cstart, $3  }
0xc1: {  	[dreg:$0x1] =	wrdreg $0xFFFFFFFF  }
0xc2: {  	_ =	task.clear_ibuf [dreg:s6], $0x2FFFF;
	_ =	strace $0x9FFFFFFF  }
0xc3: {  	(tm) =	ssettm $0x7FFFFFFF  }
tec
execute0_lowered:
.L_overlay_start_1:
0x0: {  	(tag) =	ssettag $0x1  }
0x1: {  	s6 =	rddreg [dreg:$0x0]  }
0x2: {  	s1 =	rddreg [dreg:$0x1]  }
0x3: {  	s3 =	rddreg [dreg:$0x2]  }
0x4: {  	s0 =	rddreg [dreg:$0x3];
	s4 =	simm.s32 $0x0  }
0x5: {  	s2 =	stileid.u32;
	s5 =	srdreg.scid;
	s18 =	simm.s32 $0x3  }
0x6: {  	s19 =	simm.s32 $0x4;
	s20 =	simm.s32 $0x50;
	s21 =	simm.s32 $0x4E20  }
0x7: {  	s22 =	simm.s32 $0x6220;
	s23 =	simm.s32 $0x4DD0;
	s24 =	simm.s32 $0x5  }
0x8: {  	s25 =	simm.s32 $0x0;
	[smem:$0x7FF] =	sst s4;
	s9 =	smul.u32 $0xA000, s2  }
0x9: {  	s7 =	sand.u32 $0x1, s5;
	s10 =	sshll.u32 s2, $0x1;
	s12 =	sadd.s32 $0x1800, s6  }
0xa: {  	s5 =	sadd.s32 $0x29200, s6;
	s14 =	smul.u32 $0x4E20, s2;
	_ =	strace $0x8000004D  }
0xb: {  	s8 =	smul.u32 $0xA0000, s7;
	s10 =	sor.u32 s7, s10;
	s13 =	ssub.s32 $0x2, s7  }
0xc: {  	s16 =	smul.u32 $0x2710, s7;
	s7 =	sshll.u32 s2, $0x6;
	s28 =	sshrl.u32 s9, $0x3  }
0xd: {  	s10 =	smul.u32 $0x2710, s10;
	s15 =	sshrl.u32 s13, $0x1;
	s29 =	sadd.s32 s9, s1  }
0xe: {  	s31 =	sadd.s32 s9, s3;
	s11 =	sadd.s32 s28, s6;
	s8 =	sadd.s32 s9, s8  }
0xf: {  	s13 =	ssub.s32 s13, s15;
	s30 =	sadd.s32 s16, s14;
	s15 =	sshrl.u32 s31, $0x3  }
0x10: {  	s16 =	simm.s32 $0x2;
	s8 =	sshrl.u32 s8, $0x3;
	s10 =	sshrl.u32 s10, $0x3  }
0x11: {  	s14 =	sadd.s32 $0x4E200, s30;
	s9 =	sadd.s32 $0x15200, s11;
	s11 =	smax.u32 s13, $0x1  }
0x12: {  	s13 =	sshrl.u32 s29, $0x3;
	s17 =	sadd.s32 s8, s6;
	s6 =	sadd.s32 s12, s10  }
0x13: {  	s8 =	sor.u32 $0x1C03, s7;
	s14 =	sshrl.u32 s14, $0x3;
	s10 =	sadd.s32 $0x2A600, s17  }
0x14: {  	s12 =	sadd.s32 s14, s12;
	s14 =	sor.u32 $0x1C04, s7;
	s17 =	simm.s32 $0x1  }
.LBB2_1:
0x15: {  	[tilespmem:s4], [sflag:$0x1] =	stream.linear.gather [hbm4b:s6+s4], $0x2710, $0x38;
	[tilespmem:$0x1B620] =	vst v63  }
0x16: {  	s26 =	simm.s32 $0x2710;
	s28 =	simm.s32 $0x0  }
0x17: {  	[spmem:s13], [sflag:s8] =	dma.local [hbm:s5], $0x1400  }
0x18: {  	[spmem:s15], [sflag:s14] =	dma.local [hbm:s9], $0x1400  }
.LBB2_2:
0x19: {  	p0 =	sne.s32 s28, $0x4D8  }
.Ltmp0:
0x1a: {  	_ = 	snop;
	(pc) =	sbr.rel @p0 .LBB2_2-.Ltmp0, $4  }
0x1b: {  	_ = 	snop  }
0x1c: {  	s29 =	sadd.s32 s28, s12  }
0x1d: {  	[tilespmem:s26], [sflag:$0x2] =	stream.linear.gather [hbm4b:s29+s4], $0x50, $0x38;
	[tilespmem:$0x1B620] =	vst v63  }
0x1e: {  	s28 =	sadd.s32 $0xA, s28;
	s26 =	sadd.s32 $0x50, s26  }
0x1f: {  	_ =	swait.ge [sflag:s16], $0x50  }
0x20: {  	s26 =	simm.s32 $0x7C;
	[sflag:s16] =	ssyncset.done $0x0  }
.LBB2_4:
0x21: {  	p0 =	sne.s32 s26, $0x1;
	s26 =	sadd.s32 $0xFFFFFFFF, s26;
	[sflag:s16] =	ssyncadd.s32 $0xFFFFFFB0  }
.Ltmp1:
0x22: {  	(pc) =	sbr.rel @p0 .LBB2_4-.Ltmp1, $3  }
0x23: {  	_ =	sdelay $0x1  }
0x24: {  	_ =	swait.ge [sflag:s16], $0x50  }
0x25: {  	[sflag:s16] =	ssyncset.done $0x0  }
0x26: {  	[sflag:s16] =	ssyncadd.s32 $0xFFFFFFB0  }
0x27: {  	_ =	swait.ge [sflag:s17], $0x2710  }
0x28: {  	[sflag:s17] =	ssyncset.done $0x0  }
0x29: {  	[sflag:s17] =	ssyncadd.s32 $0xFFFFD8F0  }
0x2a: {  	_ =	swait.ge [sflag:s18], $0x1400  }
0x2b: {  	[sflag:s18] =	ssyncset.done $0x0  }
0x2c: {  	[sflag:s18] =	ssyncadd.s32 $0xFFFFEC00  }
0x2d: {  	_ =	swait.ge [sflag:s19], $0x1400  }
0x2e: {  	[sflag:s19] =	ssyncset.done $0x0  }
0x2f: {  	[sflag:s19] =	ssyncadd.s32 $0xFFFFEC00  }
0x30: {  	s26 =	simm.s32 $0x0;
	[bflag:$0x0] =	sbarrier.arrive $0xFFFF  }
0x31: {  	[tilespmem:s21], [sflag:$0x1] =	stream.indirect.gather [spmem:s3], $0x40, s26, s20, $0xb8;
	[tilespmem:$0x1B620] =	vst v63  }
0x32: {  	_ =	swait.ge [sflag:s17], $0x1400  }
0x33: {  	[sflag:s17] =	ssyncset.done $0x0  }
0x34: {  	s28 =	simm.s32 $0x50;
	[sflag:s17] =	ssyncadd.s32 $0xFFFFEC00  }
0x35: {  	[tilespmem:s22], [sflag:$0x2] =	stream.indirect.gather [spmem:s3], $0x40, s28, s20, $0xb8;
	[tilespmem:$0x1B620] =	vst v63  }
0x36: {  	s29 =	simm.s32 $0x2710  }
0x37: {  	[spmem:s1] =	stream.indirect.scatter.add.f32 [tilespmem:s21], [sflag:$0x3], $0x40, s29, s20, $0xb8;
	[tilespmem:$0x1B620] =	vst v63  }
0x38: {  	_ =	swait.ge [sflag:s16], $0x1400  }
0x39: {  	[sflag:s16] =	ssyncset.done $0x0  }
0x3a: {  	s30 =	simm.s32 $0x2760;
	[sflag:s16] =	ssyncadd.s32 $0xFFFFEC00  }
0x3b: {  	[spmem:s1] =	stream.indirect.scatter.add.f32 [tilespmem:s22], [sflag:$0x4], $0x40, s30, s20, $0xb8;
	[tilespmem:$0x1B620] =	vst v63  }
0x3c: {  	_ =	swait.ge [sflag:s18], $0x1400  }
0x3d: {  	[sflag:s18] =	ssyncset.done $0x0  }
0x3e: {  	s31 =	simm.s32 $0xA0;
	[sflag:s18] =	ssyncadd.s32 $0xFFFFEC00  }
0x3f: {  	[tilespmem:s21], [sflag:$0x1] =	stream.indirect.gather [spmem:s3], $0x40, s31, s20, $0xb8;
	[tilespmem:$0x1B620] =	vst v63  }
0x40: {  	_ =	swait.ge [sflag:s19], $0x1400  }
0x41: {  	s26 =	simm.s32 $0x280;
	[sflag:s19] =	ssyncset.done $0x0  }
.LBB2_6:
0x42: {  	p0 =	sne.s32 s26, $0x9880  }
0x43: {  	[sflag:s19] =	ssyncadd.s32 $0xFFFFEC00;
	s28 =	smov.u32 s26;
	s26 =	sadd.s32 $0x280, s26  }
0x44: {  	_ =	swait.ge [sflag:s17], $0x1400  }
0x45: {  	s28 =	sshra.s32 s28, $0x2;
	[sflag:s17] =	ssyncset.done $0x0  }
0x46: {  	s29 =	sadd.s32 $0x50, s28;
	[sflag:s17] =	ssyncadd.s32 $0xFFFFEC00  }
0x47: {  	[tilespmem:s22], [sflag:$0x2] =	stream.indirect.gather [spmem:s3], $0x40, s29, s20, $0xb8;
	[tilespmem:$0x1B620] =	vst v63  }
0x48: {  	s29 =	sadd.s32 $0x2710, s28  }
0x49: {  	[spmem:s1] =	stream.indirect.scatter.add.f32 [tilespmem:s21], [sflag:$0x3], $0x40, s29, s20, $0xb8;
	[tilespmem:$0x1B620] =	vst v63  }
0x4a: {  	_ =	swait.ge [sflag:s16], $0x1400  }
0x4b: {  	[sflag:s16] =	ssyncset.done $0x0  }
0x4c: {  	s29 =	sadd.s32 $0x2760, s28;
	[sflag:s16] =	ssyncadd.s32 $0xFFFFEC00  }
0x4d: {  	[spmem:s1] =	stream.indirect.scatter.add.f32 [tilespmem:s22], [sflag:$0x4], $0x40, s29, s20, $0xb8;
	[tilespmem:$0x1B620] =	vst v63  }
0x4e: {  	_ =	swait.ge [sflag:s18], $0x1400  }
.Ltmp2:
0x4f: {  	[sflag:s18] =	ssyncset.done $0x0;
	(pc) =	sbr.rel @p0 .LBB2_6-.Ltmp2, $4  }
0x50: {  	s28 =	sadd.s32 $0xA0, s28;
	[sflag:s18] =	ssyncadd.s32 $0xFFFFEC00  }
0x51: {  	[tilespmem:s21], [sflag:$0x1] =	stream.indirect.gather [spmem:s3], $0x40, s28, s20, $0xb8;
	[tilespmem:$0x1B620] =	vst v63  }
0x52: {  	_ =	swait.ge [sflag:s19], $0x1400  }
0x53: {  	[sflag:s19] =	ssyncset.done $0x0  }
0x54: {  	[sflag:s19] =	ssyncadd.s32 $0xFFFFEC00  }
0x55: {  	_ =	swait.ge [sflag:s17], $0x1400  }
0x56: {  	[sflag:s17] =	ssyncset.done $0x0  }
0x57: {  	[sflag:s17] =	ssyncadd.s32 $0xFFFFEC00  }
0x58: {  	[spmem:s1] =	stream.indirect.scatter.add.f32 [tilespmem:s21], [sflag:$0x3], $0x40, s23, s20, $0xb8;
	[tilespmem:$0x1B620] =	vst v63  }
0x59: {  	_ =	swait.ge [sflag:s18], $0x1400  }
0x5a: {  	s25 =	sadd.s32 $0x1, s25;
	[sflag:s18] =	ssyncset.done $0x0  }
0x5b: {  	p0 =	sne.s32 s25, s11;
	[sflag:s18] =	ssyncadd.s32 $0xFFFFEC00  }
.Ltmp3:
0x5c: {  	s26 =	sor.u32 $0x1C05, s7;
	[bflag:$0x0] =	sbarrier.arrive $0xFFFF;
	(pc) =	sbr.rel @p0 .LBB2_1-.Ltmp3, $4  }
0x5d: {  	[hbm:s10], [sflag:s26] =	dma.local [spmem:s13], $0x1400  }
0x5e: {  	_ =	swait.ge [sflag:s24], $0x1400  }
0x5f: {  	[sflag:s24] =	ssyncset.done $0x0  }
0x60: {  	[sflag:s24] =	ssyncadd.s32 $0xFFFFEC00  }
0x61: {  	_ =	sfence.sel $0x180000  }
0x62: {  	[bflag:$0x0] =	sbarrier.arrive $0xFFFF  }
0x63: {  	p0 =	sne.s32 s2, $0x0;
	_ =	strace $0x9000004D  }
0x64: {  	s0 =	sadd.s32 @!p0 $0x100000, s0;
	[bflag:$0x2] =	sbarrier.arrive $0xFFFF  }
0x65: {  	[sflag:s0] =	ssyncadd.tile.s32 @!p0 $0x1;
	_ =	shalt  }
.Lfunc_end2:
_tile_overlayer_lowered:
.L_overlay_start_2:
0x66: {  	(tag) =	ssettag $0x2  }
0x67: {  	s0 =	rddreg [dreg:$0x0];
	s2 =	stileid.u32  }
0x68: {  	s1 =	rddreg [dreg:$0x1];
	p0 =	sne.s32 s2, $0x0  }
0x69: {  	s3 =	rddreg [dreg:$0x2];
	[bflag:$0x3] =	sbarrier.arrive $0xFFFF;
	s2 =	simm.s32 @!p0 $0x1C05  }
0x6a: {  	[timem:s3], [sflag:s2] =	dma.local @!p0 [hbm:s0], s1  }
0x6b: {  	s0 =	simm.s32 @!p0 $0x5  }
0x6c: {  	_ =	swait.ge @!p0 [sflag:s0], s1  }
0x6d: {  	s1 =	ssub.s32 @!p0 $0x0, s1;
	[sflag:s0] =	ssyncset.done @!p0 $0x0  }
0x6e: {  	[sflag:s0] =	ssyncadd.s32 @!p0 s1  }
0x6f: {  	[bflag:$0x3] =	sbarrier.arrive $0xFFFF  }
0x70: {  	_ =	shalt  }

// kernel: kernel.9.cloned.1.call-start
scs
__scs_entry_jumppad:
0x0: {  	(pc) =	sbr.rel $0x88, $3  }
0x1: {  	(tag) =	ssettag $0x0;
	lr =	simm.s32 $0x1  }
0x2: {  	[smem:$0x3F9B] =	sst lr;
	_ =	strace $0xD0000000  }
0x3: {  	_ = 	snop  }
0x4: {  	_ = 	snop  }
0x5: {  	_ = 	snop  }
0x6: {  	_ = 	snop  }
0x7: {  	_ = 	snop  }
__scs_overlays_trampoline_lowered:
0x8: {  	[smem:$0x3FAA] =	sst s0  }
0x9: {  	[smem:$0x3FAB] =	sst s1  }
0xa: {  	[smem:$0x3FAC] =	sst s2  }
0xb: {  	[smem:$0x3FAD] =	sst s3  }
0xc: {  	[smem:$0x3FAE] =	sst s4  }
0xd: {  	[smem:$0x3FAF] =	sst s5  }
0xe: {  	[smem:$0x3FB0] =	sst s6  }
0xf: {  	[smem:$0x3FB1] =	sst s7  }
0x10: {  	[smem:$0x3FB2] =	sst s8  }
0x11: {  	[smem:$0x3FB3] =	sst s9;
	s0 =	simm.s32 @!p0 $0x0  }
0x12: {  	s1 =	sld [smem:$0x3F99];
	s0 =	simm.s32 @p0 $0x1  }
0x13: {  	[smem:$0x3FB4] =	sst s0;
	s0 =	simm.s32 @!p1 $0x0  }
0x14: {  	s2 =	sld [smem:$0x3F98];
	s0 =	simm.s32 @p1 $0x1  }
0x15: {  	[smem:$0x3FB5] =	sst s0;
	s0 =	simm.s32 @!p2 $0x0  }
0x16: {  	s3 =	sld [smem:$0x3FDB];
	s0 =	simm.s32 @p2 $0x1  }
0x17: {  	s4 =	simm.s32 $0x1BF5;
	[smem:$0x3FB7] =	sst s0  }
0x18: {  	s0 =	sld [smem:$0x3F9A];
	_ =	swait.ge [sflag:s4], $0x0  }
0x19: {  	s7 =	sld [smem:$0x3F9B]  }
0x1a: {  	s8 =	sadd.s32 $0xFFFFE003, lr  }
0x1b: {  	s9 =	sadd.s32 $0xFFFFFEF7, lr;
	s5 =	simm.s32 $0xFFFFFFFF;
	p2 =	slt.u32 s8, $0xFFFFF086  }
0x1c: {  	p1 =	slt.u32 s9, $0xF7A;
	s5 =	simm.s32 @!p2 $0x0  }
0x1d: {  	s5 =	simm.s32 @p1 $0x1;
	p0 =	seq.s32 s7, s2  }
0x1e: {  	s7 =	smul.u32 @!p0 $0xF7A, s2;
	p2 =	seq.s32 @!p0 s5, $0x0  }
0x1f: {  	s9 =	smul.u32 $0xF7A, s1;
	s8 =	simm.s32 @!p0 $0x1BF5;
	p2 =	por !p2, p0  }
0x20: {  	[sflag:s8] =	ssyncset.s32 @!p0 $0xFFFFF086;
	s6 =	sadd.s32 @!p0 s3, s7;
	s7 =	simm.s32 @!p0 $0x108  }
0x21: {  	s3 =	sadd.s32 s3, s9;
	s6 =	sadd.s32 @!p0 $0x88, s6;
	s7 =	simm.s32 @p2 $0x1082  }
0x22: {  	[simem:s7], [sflag:s8] =	dma.local @!p0 [hbm:s6], $0xF7A  }
0x23: {  	s9 =	sor.u32 $0xD0000000, s2;
	s6 =	simm.s32 $0x108;
	_ =	swait.ge @!p0 [sflag:s8], $0x0  }
0x24: {  	s3 =	sadd.s32 $0x88, s3;
	s6 =	simm.s32 @!p1 $0x1082;
	[sflag:s4] =	ssyncset.s32 $0xFFFFF086  }
0x25: {  	[simem:s6], [sflag:s4] =	dma.local [hbm:s3], $0xF7A  }
0x26: {  	[smem:$0x3F9B] =	sst s1;
	(tag) =	ssettag s2;
	_ =	strace s9  }
0x27: {  	s1 =	sld [smem:$0x3FAB]  }
0x28: {  	s2 =	sld [smem:$0x3FAC]  }
0x29: {  	s4 =	sld [smem:$0x3FAE]  }
0x2a: {  	p0 =	seq.s32 s5, $0x0;
	s5 =	sld [smem:$0x3FAF]  }
0x2b: {  	s6 =	sld [smem:$0x3FB0]  }
0x2c: {  	s7 =	sld [smem:$0x3FB1]  }
0x2d: {  	s3 =	simm.s32 $0x108;
	s8 =	sld [smem:$0x3FB2]  }
0x2e: {  	s3 =	simm.s32 @!p0 $0x1082;
	s9 =	sld [smem:$0x3FB3]  }
0x2f: {  	lr =	sadd.s32 s0, s3;
	s0 =	sld [smem:$0x3FAA]  }
0x30: {  	s3 =	sld [smem:$0x3FAD]  }
0x31: {  	[smem:$0x3FB6] =	sst s10  }
0x32: {  	s10 =	sld [smem:$0x3FB4];
	_ =	sdelay $0x3  }
0x33: {  	p0 =	seq.s32 s10, $0x1;
	s10 =	sld [smem:$0x3FB6];
	_ =	sdelay $0x3  }
0x34: {  	[smem:$0x3FB6] =	sst s10  }
0x35: {  	s10 =	sld [smem:$0x3FB5];
	_ =	sdelay $0x3  }
0x36: {  	p1 =	seq.s32 s10, $0x1;
	s10 =	sld [smem:$0x3FB6];
	_ =	sdelay $0x3  }
0x37: {  	[smem:$0x3FB6] =	sst s10  }
0x38: {  	s10 =	sld [smem:$0x3FB7]  }
0x39: {  	_ = 	snop;
	(pc) =	sbr.ind lr, $3  }
0x3a: {  	_ = 	snop  }
0x3b: {  	_ = 	snop  }
0x3c: {  	p2 =	seq.s32 s10, $0x1;
	s10 =	sld [smem:$0x3FB6]  }
0x3d: {  	_ =	shalt  }
0x3e: {  	_ =	shalt  }
0x3f: {  	_ =	shalt  }
0x40: {  	_ =	shalt  }
0x41: {  	_ =	shalt  }
0x42: {  	_ =	shalt  }
0x43: {  	_ =	shalt  }
0x44: {  	_ =	shalt  }
0x45: {  	_ =	shalt  }
0x46: {  	_ =	shalt  }
0x47: {  	_ =	shalt  }
0x48: {  	_ =	shalt  }
0x49: {  	_ =	shalt  }
0x4a: {  	_ =	shalt  }
0x4b: {  	_ =	shalt  }
0x4c: {  	_ =	shalt  }
0x4d: {  	_ =	shalt  }
0x4e: {  	_ =	shalt  }
0x4f: {  	_ =	shalt  }
0x50: {  	_ =	shalt  }
0x51: {  	_ =	shalt  }
0x52: {  	_ =	shalt  }
0x53: {  	_ =	shalt  }
0x54: {  	_ =	shalt  }
0x55: {  	_ =	shalt  }
0x56: {  	_ =	shalt  }
0x57: {  	_ =	shalt  }
0x58: {  	_ =	shalt  }
0x59: {  	_ =	shalt  }
0x5a: {  	_ =	shalt  }
0x5b: {  	_ =	shalt  }
0x5c: {  	_ =	shalt  }
0x5d: {  	_ =	shalt  }
0x5e: {  	_ =	shalt  }
0x5f: {  	_ =	shalt  }
0x60: {  	_ =	shalt  }
0x61: {  	_ =	shalt  }
0x62: {  	_ =	shalt  }
0x63: {  	_ =	shalt  }
0x64: {  	_ =	shalt  }
0x65: {  	_ =	shalt  }
0x66: {  	_ =	shalt  }
0x67: {  	_ =	shalt  }
0x68: {  	_ =	shalt  }
0x69: {  	_ =	shalt  }
0x6a: {  	_ =	shalt  }
0x6b: {  	_ =	shalt  }
0x6c: {  	_ =	shalt  }
0x6d: {  	_ =	shalt  }
0x6e: {  	_ =	shalt  }
0x6f: {  	_ =	shalt  }
0x70: {  	_ =	shalt  }
0x71: {  	_ =	shalt  }
0x72: {  	_ =	shalt  }
0x73: {  	_ =	shalt  }
0x74: {  	_ =	shalt  }
0x75: {  	_ =	shalt  }
0x76: {  	_ =	shalt  }
0x77: {  	_ =	shalt  }
0x78: {  	_ =	shalt  }
0x79: {  	_ =	shalt  }
0x7a: {  	_ =	shalt  }
0x7b: {  	_ =	shalt  }
0x7c: {  	_ =	shalt  }
0x7d: {  	_ =	shalt  }
0x7e: {  	_ =	shalt  }
0x7f: {  	_ =	shalt  }
0x80: {  	_ =	shalt  }
0x81: {  	_ =	shalt  }
0x82: {  	_ =	shalt  }
0x83: {  	_ =	shalt  }
0x84: {  	_ =	shalt  }
0x85: {  	_ =	shalt  }
0x86: {  	_ =	shalt  }
0x87: {  	_ =	shalt  }
.Lfunc_end0:
.L_simem_size_0:
called_computation_lowered:
.L_overlay_start_0:
0x88: {  	s2 =	sld [smem:$0x3FD9]  }
0x89: {  	s3 =	sld [smem:$0x3FFE];
	_ =	sdelay $0x1  }
0x8a: {  	s1 =	srdreg.scid  }
0x8b: {  	s0 =	sand.u32 $0x1, s1  }
0x8c: {  	s17 =	sshll.u32 s0, $0xA;
	s2 =	sadd.s32 s3, s2  }
0x8d: {  	s2 =	sadd.s32 s2, s17  }
0x8e: {  	[smem:$0x3FC2] =	sst s2  }
0x8f: {  	_ = 	snop  }
0x90: {  	s2 =	sld [smem:$0x3FD0];
	(tm) =	ssettm $0x1  }
0x91: {  	s18 =	sld [smem:$0x3FFB];
	_ =	sdelay $0x3  }
0x92: {  	_ =	strace s18  }
0x93: {  	s3 =	sld [smem:$0x3FFC];
	_ =	sdelay $0x3  }
0x94: {  	_ =	strace s3  }
0x95: {  	s3 =	sld [smem:$0x3FFD];
	_ =	sdelay $0x3  }
0x96: {  	_ =	strace s3  }
0x97: {  	_ =	strace $0x8FFFFFFF  }
0x98: {  	s19 =	sld [smem:$0x3FDB];
	_ =	sdelay $0x1  }
0x99: {  	s4 =	simm.s32 $_scs_section_size  }
0x9a: {  	s5 =	simm.s32 $_size__tile_overlayer_lowered;
	s6 =	simm.s32 $_tile_overlayer_lowered  }
0x9b: {  	s22 =	simm.s32 $0x1BFF;
	s21 =	sshll.u32 s6, $0x1;
	s3 =	sadd.s32 s4, s19  }
0x9c: {  	s7 =	simm.s32 $0x0;
	s20 =	sshll.u32 s5, $0x1;
	s5 =	sadd.s32 s21, s3  }
0x9d: {  	[timem:s7], [sflag:s22] =	dma.local [hbm:s5], s20  }
0x9e: {  	_ =	swait.ge [sflag:s22], s20  }
0x9f: {  	s4 =	ssub.s32 $0x0, s20;
	[sflag:s22] =	ssyncset.done $0x0  }
0xa0: {  	[sflag:s22] =	ssyncadd.s32 s4;
	_ =	sdelay $0x1  }
0xa1: {  	s23 =	simm.s32 $0x1B8B  }
0xa2: {  	_ =	swait.ge [sflag:s23], $0x1  }
0xa3: {  	[sflag:s23] =	ssyncset.done $0x0  }
0xa4: {  	s25 =	simm.s32 $0x1B8E;
	s24 =	sld [smem:$0x3FFE];
	[sflag:s23] =	ssyncadd.s32 $0xFFFFFFFF  }
0xa5: {  	s26 =	simm.s32 $execute0_lowered;
	[smem:$0x3FD2] =	sst s25  }
0xa6: {  	s5 =	sshll.u32 s26, $0x1;
	_ =	strace $0x80000046;
	[dreg:$0x1] =	wrdreg $0xFFFFFFFF  }
0xa7: {  	s28 =	simm.s32 $_size_execute0_lowered;
	s3 =	sadd.s32 s3, s5;
	[dreg:$0x0] =	wrdreg $0x0  }
0xa8: {  	s5 =	sshll.u32 s28, $0x1;
	[dreg:$0x2] =	wrdreg s3  }
0xa9: {  	[dreg:$0x3] =	wrdreg s5  }
0xaa: {  	[dreg:$0x4] =	wrdreg $0xC0  }
0xab: {  	_ =	task [dreg:s7], $0x5FFFF  }
0xac: {  	[dreg:$0x1] =	wrdreg $0xFFFFFFFF  }
0xad: {  	[dreg:$0x0] =	wrdreg $0x60  }
0xae: {  	[dreg:$0x2] =	wrdreg s24  }
0xaf: {  	[dreg:$0x3] =	wrdreg s2  }
0xb0: {  	[dreg:$0x4] =	wrdreg $0x2C100  }
0xb1: {  	[dreg:$0x5] =	wrdreg $0x9  }
0xb2: {  	_ =	task.clear_ibuf [dreg:s7], $0x6FFFF;
	_ =	strace $0x90000046  }
0xb3: {  	s29 =	simm.s32 $0x9;
	_ =	strace $0x80000048  }
0xb4: {  	_ =	swait.ge [sflag:s29], $0x1  }
0xb5: {  	[sflag:s29] =	ssyncadd.s32 $0xFFFFFFFF  }
0xb6: {  	_ =	strace $0x90000048  }
0xb7: {  	_ =	sfence  }
0xb8: {  	s30 =	sld [smem:$0x0];
	_ =	sdelay $0x2  }
0xb9: {  	s31 =	sshll.u32 s1, $0xD;
	s1 =	sshrl.u32 s1, $0x2  }
0xba: {  	s3 =	sand.u32 $0x4000, s31;
	s1 =	sadd.s32 s1, s30  }
0xbb: {  	s0 =	sor.u32 s3, s0;
	s1 =	sshll.u32 s1, $0x11  }
0xbc: {  	s0 =	sor.u32 s1, s0  }
0xbd: {  	s0 =	sadd.s32 $0x8F2B, s0  }
0xbe: {  	[sflag:s0] =	ssyncadd.remote.s32 $0x1  }
0xbf: {  	_ =	sfence.sel $0xFFFF  }
0xc0: {  	[dreg:$0x0] =	wrdreg $0xFFFFFFFF;
	(pc) =	sbr.abs _section_cstart, $3  }
0xc1: {  	[dreg:$0x1] =	wrdreg $0xFFFFFFFF  }
0xc2: {  	_ =	task.clear_ibuf [dreg:s7], $0x2FFFF;
	_ =	strace $0x9FFFFFFF  }
0xc3: {  	(tm) =	ssettm $0x7FFFFFFF  }
tec
execute0_lowered:
.L_overlay_start_1:
0x0: {  	(tag) =	ssettag $0x1  }
0x1: {  	s6 =	rddreg [dreg:$0x0]  }
0x2: {  	s1 =	srdreg.scid;
	s2 =	rddreg [dreg:$0x1]  }
0x3: {  	s0 =	stileid.u32;
	s3 =	rddreg [dreg:$0x2]  }
0x4: {  	s4 =	simm.s32 $0x0;
	s12 =	simm.s32 $0x3;
	s13 =	simm.s32 $0x2  }
0x5: {  	s14 =	simm.s32 $0x1;
	s15 =	simm.s32 $0x50;
	s7 =	smul.u32 $0x4E20, s0  }
0x6: {  	s5 =	sand.u32 $0x1, s1;
	s1 =	rddreg [dreg:$0x3];
	s26 =	smul.u32 $0x2800, s0  }
0x7: {  	s16 =	simm.s32 $0x0;
	[smem:$0x7FF] =	sst s4;
	s8 =	smul.u32 $0x2710, s5  }
0x8: {  	s30 =	sshll.u32 s0, $0x6;
	s9 =	smul.u32 $0x28000, s5;
	_ =	strace $0x80000047  }
0x9: {  	s29 =	ssub.s32 $0x2, s5;
	s5 =	sadd.s32 $0x15200, s6;
	s7 =	sadd.s32 s8, s7  }
0xa: {  	s11 =	sshrl.u32 s29, $0x1;
	s31 =	sadd.s32 s26, s3;
	s7 =	sadd.s32 $0x4E200, s7  }
0xb: {  	s28 =	sadd.s32 s26, s9;
	s9 =	ssub.s32 s29, s11;
	s7 =	sshrl.u32 s7, $0x3  }
0xc: {  	s11 =	sshrl.u32 s31, $0x3;
	s10 =	sadd.s32 s7, s6;
	s7 =	sshrl.u32 s28, $0x3  }
0xd: {  	s8 =	smax.u32 s9, $0x1;
	s7 =	sadd.s32 s7, s6;
	s6 =	sor.u32 $0x1C03, s30  }
0xe: {  	s9 =	sadd.s32 $0x1800, s10;
	s10 =	simm.s32 $0x2710;
	s7 =	sadd.s32 $0x15400, s7  }
.LBB2_1:
0xf: {  	[tilespmem:s10], [sflag:$0x1] =	stream.linear.gather [hbm4b:s5+s4], $0x500, $0x38;
	[tilespmem:$0x5410] =	vst v63  }
0x10: {  	[spmem:s11], [sflag:s6] =	dma.local [hbm:s2], $0x500  }
0x11: {  	_ =	swait.ge [sflag:s12], $0x500  }
0x12: {  	[sflag:s12] =	ssyncset.done $0x0  }
0x13: {  	s17 =	simm.s32 $0x0;
	s18 =	simm.s32 $0x0;
	[sflag:s12] =	ssyncadd.s32 $0xFFFFFB00  }
.LBB2_2:
0x14: {  	p0 =	sne.s32 s18, $0x4D8  }
.Ltmp0:
0x15: {  	_ = 	snop;
	(pc) =	sbr.rel @p0 .LBB2_2-.Ltmp0, $4  }
0x16: {  	_ = 	snop  }
0x17: {  	s19 =	sadd.s32 s18, s9  }
0x18: {  	[tilespmem:s17], [sflag:$0x2] =	stream.linear.gather [hbm4b:s19+s4], $0x50, $0x38;
	[tilespmem:$0x5410] =	vst v63  }
0x19: {  	s18 =	sadd.s32 $0xA, s18;
	s17 =	sadd.s32 $0x50, s17  }
0x1a: {  	_ =	swait.ge [sflag:s13], $0x50  }
0x1b: {  	s17 =	simm.s32 $0x7C;
	[sflag:s13] =	ssyncset.done $0x0  }
.LBB2_4:
0x1c: {  	p0 =	sne.s32 s17, $0x1;
	s17 =	sadd.s32 $0xFFFFFFFF, s17;
	[sflag:s13] =	ssyncadd.s32 $0xFFFFFFB0  }
.Ltmp1:
0x1d: {  	(pc) =	sbr.rel @p0 .LBB2_4-.Ltmp1, $3  }
0x1e: {  	_ =	sdelay $0x1  }
0x1f: {  	_ =	swait.ge [sflag:s13], $0x50  }
0x20: {  	[sflag:s13] =	ssyncset.done $0x0  }
0x21: {  	[sflag:s13] =	ssyncadd.s32 $0xFFFFFFB0  }
0x22: {  	_ =	swait.ge [sflag:s14], $0x500  }
0x23: {  	[sflag:s14] =	ssyncset.done $0x0  }
0x24: {  	[sflag:s14] =	ssyncadd.s32 $0xFFFFFB00  }
0x25: {  	s17 =	simm.s32 $0x0;
	[bflag:$0x0] =	sbarrier.arrive $0xFFFF  }
.LBB2_6:
0x26: {  	p0 =	sne.s32 s17, $0x9B00  }
.Ltmp2:
0x27: {  	_ = 	snop;
	(pc) =	sbr.rel @p0 .LBB2_6-.Ltmp2, $3  }
0x28: {  	_ =	sdelay $0x1  }
0x29: {  	s18 =	sshra.s32 s17, $0x2;
	s17 =	sadd.s32 $0x140, s17  }
0x2a: {  	[spmem:s3] =	stream.indirect.scatter.add.f32 [tilespmem:s10], [sflag:$0x2], $0x10, s18, s15, $0xb8;
	[tilespmem:$0x5410] =	vst v63  }
0x2b: {  	_ =	swait.ge [sflag:s13], $0x500  }
0x2c: {  	s17 =	simm.s32 $0x7C;
	[sflag:s13] =	ssyncset.done $0x0  }
.LBB2_8:
0x2d: {  	p0 =	sne.s32 s17, $0x1;
	s17 =	sadd.s32 $0xFFFFFFFF, s17;
	[sflag:s13] =	ssyncadd.s32 $0xFFFFFB00  }
.Ltmp3:
0x2e: {  	(pc) =	sbr.rel @p0 .LBB2_8-.Ltmp3, $3  }
0x2f: {  	_ =	sdelay $0x1  }
0x30: {  	_ =	swait.ge [sflag:s13], $0x500  }
0x31: {  	[sflag:s13] =	ssyncset.done $0x0  }
0x32: {  	s16 =	sadd.s32 $0x1, s16  }
0x33: {  	[sflag:s13] =	ssyncadd.s32 $0xFFFFFB00;
	p0 =	sne.s32 s16, s8  }
.Ltmp4:
0x34: {  	[bflag:$0x0] =	sbarrier.arrive $0xFFFF;
	(pc) =	sbr.rel @p0 .LBB2_1-.Ltmp4, $4  }
0x35: {  	[hbm:s7], [sflag:s6] =	dma.local [spmem:s11], $0x500  }
0x36: {  	_ =	swait.ge [sflag:s12], $0x500  }
0x37: {  	[sflag:s12] =	ssyncset.done $0x0  }
0x38: {  	[sflag:s12] =	ssyncadd.s32 $0xFFFFFB00  }
0x39: {  	_ =	sfence.sel $0x180000  }
0x3a: {  	[bflag:$0x0] =	sbarrier.arrive $0xFFFF  }
0x3b: {  	p0 =	sne.s32 s0, $0x0;
	_ =	strace $0x90000047  }
0x3c: {  	s0 =	sadd.s32 @!p0 $0x100000, s1;
	[bflag:$0x2] =	sbarrier.arrive $0xFFFF  }
0x3d: {  	[sflag:s0] =	ssyncadd.tile.s32 @!p0 $0x1;
	_ =	shalt  }
.Lfunc_end2:
_tile_overlayer_lowered:
.L_overlay_start_2:
0x3e: {  	(tag) =	ssettag $0x2  }
0x3f: {  	s0 =	rddreg [dreg:$0x0];
	s2 =	stileid.u32  }
0x40: {  	s1 =	rddreg [dreg:$0x1];
	p0 =	sne.s32 s2, $0x0  }
0x41: {  	s3 =	rddreg [dreg:$0x2];
	[bflag:$0x3] =	sbarrier.arrive $0xFFFF;
	s2 =	simm.s32 @!p0 $0x1C03  }
0x42: {  	[timem:s3], [sflag:s2] =	dma.local @!p0 [hbm:s0], s1  }
0x43: {  	s0 =	simm.s32 @!p0 $0x3  }
0x44: {  	_ =	swait.ge @!p0 [sflag:s0], s1  }
0x45: {  	s1 =	ssub.s32 @!p0 $0x0, s1;
	[sflag:s0] =	ssyncset.done @!p0 $0x0  }
0x46: {  	[sflag:s0] =	ssyncadd.s32 @!p0 s1  }
0x47: {  	[bflag:$0x3] =	sbarrier.arrive $0xFFFF  }
0x48: {  	_ =	shalt  }

</sc_bundles>
